<compile_context>
chip_gen: v7x
topology: tpu7x:2x2x1
jax: 0.10.2.dev20260603
libtpu: 0.0.44.dev20260713+nightly
codegen_flags: <defaults>
</compile_context>

<pallas_src>
import jax
import jax.numpy as jnp
from jax import lax
from jax.experimental import pallas as pl
from jax.experimental.pallas import tpu as pltpu
from jax.experimental.pallas import tpu_sc as plsc

NC, NS, L = 2, 16, 16
NW = NC * NS
B = 16384 * 200
D = 128
NROWS = 10
BPW = B // NW
UNIT = 128
U = BPW // UNIT
NBUF = 4
FUNROLL = 4


def _body(idx_hbm, table_hbm, out_hbm, idx_v, table_v, rows_v, *sems):
    so = sems[0:NBUF]
    si = sems[NBUF:2 * NBUF]
    wid = lax.axis_index("s") * NC + lax.axis_index("c")
    idx_base = wid * U
    out_base = wid * BPW

    def idx_load(u, s):
        pltpu.async_copy(
            idx_hbm.at[pl.ds(idx_base + u, 1)],
            idx_v.at[pl.ds(s, 1), pl.ds(0, UNIT)], si[s])

    def wait_idx(s):
        pltpu.make_async_copy(
            idx_hbm.at[pl.ds(0, 1)],
            idx_v.at[pl.ds(s, 1), pl.ds(0, UNIT)], si[s]).wait()

    def out_copy(u, s):
        pltpu.async_copy(
            rows_v.at[pl.ds(s * UNIT, UNIT)],
            out_hbm.at[pl.ds(out_base + u * UNIT, UNIT)], so[s])

    def wait_out(s):
        pltpu.make_async_copy(
            rows_v.at[pl.ds(s * UNIT, UNIT)],
            out_hbm.at[pl.ds(0, UNIT)], so[s]).wait()

    pltpu.sync_copy(table_hbm, table_v)

    def compose(b):
        @plsc.parallel_loop(0, UNIT, unroll=FUNROLL)
        def tbody(t):
            sidx = idx_v[b, pl.ds(t, L)][0]
            sidx = jnp.minimum(jnp.maximum(sidx, 0), NROWS - 1)
            for k in range(D // L):
                v = table_v[sidx, pl.ds(k * L, L)]
                rows_v[b * UNIT + t, pl.ds(k * L, L)] = v

    for s in range(NBUF):
        idx_load(s, s)

    def iter_body(i, _):
        for b in range(NBUF):
            u = i * NBUF + b
            wait_idx(s=b)
            @pl.when(i > 0)
            def _():
                wait_out(s=b)
            compose(b)
            out_copy(u, b)
            @pl.when(u + NBUF < U)
            def _():
                idx_load(u + NBUF, b)
        return ()

    lax.fori_loop(0, U // NBUF, iter_body, ())

    for s in range(NBUF):
        wait_out(s)


@jax.jit
def _emb(idx2d, table_flat):
    mesh = plsc.VectorSubcoreMesh(core_axis_name="c", subcore_axis_name="s")
    return pl.kernel(
        _body,
        out_type=jax.ShapeDtypeStruct((B, D), jnp.float32),
        mesh=mesh,
        compiler_params=pltpu.CompilerParams(needs_layout_passes=False),
        scratch_types=[
            pltpu.VMEM((NBUF, UNIT + L), jnp.int32),
            pltpu.VMEM((NROWS, D), jnp.float32),
            pltpu.VMEM((NBUF * UNIT, D), jnp.float32),
        ] + [pltpu.SemaphoreType.DMA] * (2 * NBUF),
    )(idx2d, table_flat)


def kernel(tokentypes, emb_weight):
    idx2d = jnp.reshape(tokentypes.astype(jnp.int32), (B // UNIT, UNIT))
    out = _emb(idx2d, emb_weight)
    return jnp.reshape(out, (16384, 200, D))

# --- scband reference (transcript-rebuilt; emitter-appended) ---
"""Pipeline reference for scband-token-type-embedding-minimal-38646115729795 (READ-ONLY COPY).

The authoritative reference and input builder live on the scoring server;
editing this copy changes nothing except your own understanding.
"""

import jax, jax.numpy as jnp
import numpy as np


def setup_inputs(seed: int = 0) -> dict:
    key = jax.random.key(seed)
    k1, k2 = jax.random.split(key)
    tokentypes = jax.random.randint(k1, (16384, 200), 0, 10, dtype=jnp.int64 if jax.config.read('jax_enable_x64') else jnp.int32)
    emb_weight = jax.random.normal(k2, (10, 128), dtype=jnp.float32)
    return {"tokentypes": tokentypes, "emb_weight": emb_weight}


def reference(tokentypes, emb_weight):
    # faithful to: self.emb(tokentypes.clamp_min(0))
    idx = jnp.maximum(tokentypes, 0)
    tokentypeemb = jnp.take(emb_weight, idx, axis=0)
    return tokentypeemb

if __name__ == "__main__":
    import jax
    _d = setup_inputs()
    print(jax.jit(kernel)(*tuple(_d.values())))

</pallas_src>

<mosaic_0001>
#map = affine_map<(d0, d1) -> (0, 0)>
module attributes {stable_mosaic.version = 14 : i64} {
  func.func @_body(%arg0: i32, %arg1: i32, %arg2: memref<25600x128xi32, #tpu.memory_space<hbm>>, %arg3: memref<10x128xf32, #tpu.memory_space<hbm>>, %arg4: memref<3276800x128xf32, #tpu.memory_space<hbm>>, %arg5: memref<4x144xi32, #tpu.memory_space<vmem>>, %arg6: memref<10x128xf32, #tpu.memory_space<vmem>>, %arg7: memref<512x128xf32, #tpu.memory_space<vmem>>, %arg8: memref<!tpu.dma_semaphore, #tpu.memory_space<semaphore_mem>>, %arg9: memref<!tpu.dma_semaphore, #tpu.memory_space<semaphore_mem>>, %arg10: memref<!tpu.dma_semaphore, #tpu.memory_space<semaphore_mem>>, %arg11: memref<!tpu.dma_semaphore, #tpu.memory_space<semaphore_mem>>, %arg12: memref<!tpu.dma_semaphore, #tpu.memory_space<semaphore_mem>>, %arg13: memref<!tpu.dma_semaphore, #tpu.memory_space<semaphore_mem>>, %arg14: memref<!tpu.dma_semaphore, #tpu.memory_space<semaphore_mem>>, %arg15: memref<!tpu.dma_semaphore, #tpu.memory_space<semaphore_mem>>) attributes {dimension_semantics = [#tpu.dimension_semantics<core_parallel>, #tpu.dimension_semantics<subcore_parallel>], iteration_bounds = array<i64: 2, 16>, scalar_prefetch = 0 : i64, scratch_operands = 11 : i64, tpu.core_type = #tpu.core_type<sc_vector_subcore>, window_params = [{transform_indices = #map}, {transform_indices = #map}, {transform_indices = #map}]} {
    %mul3A = arith.constant 2 : i32
    %mul3A_0 = arith.muli %arg1, %mul3A : i32
    %add3A = arith.addi %mul3A_0, %arg0 : i32
    %mul3A_1 = arith.constant 800 : i32
    %mul3A_2 = arith.muli %add3A, %mul3A_1 : i32
    %mul3A_3 = arith.constant 102400 : i32
    %mul3A_4 = arith.muli %add3A, %mul3A_3 : i32
    "tpu.region"() ({
      %run_scoped3A = tpu.sem_alloc : memref<!tpu.dma_semaphore, #tpu.memory_space<semaphore_mem>>
      tpu.enqueue_dma source(%arg3 : memref<10x128xf32, #tpu.memory_space<hbm>>) target(%arg6 : memref<10x128xf32, #tpu.memory_space<vmem>>) target_semaphore(%run_scoped3A : memref<!tpu.dma_semaphore, #tpu.memory_space<semaphore_mem>>)
      tpu.wait_dma2 semaphore(%run_scoped3A : memref<!tpu.dma_semaphore, #tpu.memory_space<semaphore_mem>>) src(%arg3 : memref<10x128xf32, #tpu.memory_space<hbm>>) dst(%arg6 : memref<10x128xf32, #tpu.memory_space<vmem>>)
      tpu.yield
    }) : () -> ()
    %add3A_5 = arith.constant 0 : i32
    %add3A_6 = arith.addi %mul3A_2, %add3A_5 : i32
    %dma_start3A = arith.constant 0 : i32
    %dma_start3A_7 = arith.constant 0 : i32
    %dma_start3A_8 = tpu.memref_slice %arg5[%dma_start3A, %dma_start3A_7] : memref<4x144xi32, #tpu.memory_space<vmem>> -> memref<1x128xi32, #tpu.memory_space<vmem>>
    %dma_start3A_9 = arith.constant 0 : i32
    %dma_start3A_10 = tpu.memref_slice %arg2[%add3A_6, %dma_start3A_9] : memref<25600x128xi32, #tpu.memory_space<hbm>> -> memref<1x128xi32, #tpu.memory_space<hbm>>
    %dma_start3A_11 = arith.constant 0 : i32
    %dma_start3A_12 = arith.constant 0 : i32
    %dma_start3A_13 = tpu.memref_slice %arg5[%dma_start3A_11, %dma_start3A_12] : memref<4x144xi32, #tpu.memory_space<vmem>> -> memref<1x128xi32, #tpu.memory_space<vmem>>
    %dma_start3A_14 = arith.constant 0 : i32
    %dma_start3A_15 = tpu.memref_slice %arg2[%add3A_6, %dma_start3A_14] : memref<25600x128xi32, #tpu.memory_space<hbm>> -> memref<1x128xi32, #tpu.memory_space<hbm>>
    tpu.enqueue_dma source(%dma_start3A_15 : memref<1x128xi32, #tpu.memory_space<hbm>>) target(%dma_start3A_13 : memref<1x128xi32, #tpu.memory_space<vmem>>) target_semaphore(%arg12 : memref<!tpu.dma_semaphore, #tpu.memory_space<semaphore_mem>>)
    %add3A_16 = arith.constant 1 : i32
    %add3A_17 = arith.addi %mul3A_2, %add3A_16 : i32
    %dma_start3A_18 = arith.constant 1 : i32
    %dma_start3A_19 = arith.constant 0 : i32
    %dma_start3A_20 = tpu.memref_slice %arg5[%dma_start3A_18, %dma_start3A_19] : memref<4x144xi32, #tpu.memory_space<vmem>> -> memref<1x128xi32, #tpu.memory_space<vmem>>
    %dma_start3A_21 = arith.constant 0 : i32
    %dma_start3A_22 = tpu.memref_slice %arg2[%add3A_17, %dma_start3A_21] : memref<25600x128xi32, #tpu.memory_space<hbm>> -> memref<1x128xi32, #tpu.memory_space<hbm>>
    %dma_start3A_23 = arith.constant 1 : i32
    %dma_start3A_24 = arith.constant 0 : i32
    %dma_start3A_25 = tpu.memref_slice %arg5[%dma_start3A_23, %dma_start3A_24] : memref<4x144xi32, #tpu.memory_space<vmem>> -> memref<1x128xi32, #tpu.memory_space<vmem>>
    %dma_start3A_26 = arith.constant 0 : i32
    %dma_start3A_27 = tpu.memref_slice %arg2[%add3A_17, %dma_start3A_26] : memref<25600x128xi32, #tpu.memory_space<hbm>> -> memref<1x128xi32, #tpu.memory_space<hbm>>
    tpu.enqueue_dma source(%dma_start3A_27 : memref<1x128xi32, #tpu.memory_space<hbm>>) target(%dma_start3A_25 : memref<1x128xi32, #tpu.memory_space<vmem>>) target_semaphore(%arg13 : memref<!tpu.dma_semaphore, #tpu.memory_space<semaphore_mem>>)
    %add3A_28 = arith.constant 2 : i32
    %add3A_29 = arith.addi %mul3A_2, %add3A_28 : i32
    %dma_start3A_30 = arith.constant 2 : i32
    %dma_start3A_31 = arith.constant 0 : i32
    %dma_start3A_32 = tpu.memref_slice %arg5[%dma_start3A_30, %dma_start3A_31] : memref<4x144xi32, #tpu.memory_space<vmem>> -> memref<1x128xi32, #tpu.memory_space<vmem>>
    %dma_start3A_33 = arith.constant 0 : i32
    %dma_start3A_34 = tpu.memref_slice %arg2[%add3A_29, %dma_start3A_33] : memref<25600x128xi32, #tpu.memory_space<hbm>> -> memref<1x128xi32, #tpu.memory_space<hbm>>
    %dma_start3A_35 = arith.constant 2 : i32
    %dma_start3A_36 = arith.constant 0 : i32
    %dma_start3A_37 = tpu.memref_slice %arg5[%dma_start3A_35, %dma_start3A_36] : memref<4x144xi32, #tpu.memory_space<vmem>> -> memref<1x128xi32, #tpu.memory_space<vmem>>
    %dma_start3A_38 = arith.constant 0 : i32
    %dma_start3A_39 = tpu.memref_slice %arg2[%add3A_29, %dma_start3A_38] : memref<25600x128xi32, #tpu.memory_space<hbm>> -> memref<1x128xi32, #tpu.memory_space<hbm>>
    tpu.enqueue_dma source(%dma_start3A_39 : memref<1x128xi32, #tpu.memory_space<hbm>>) target(%dma_start3A_37 : memref<1x128xi32, #tpu.memory_space<vmem>>) target_semaphore(%arg14 : memref<!tpu.dma_semaphore, #tpu.memory_space<semaphore_mem>>)
    %add3A_40 = arith.constant 3 : i32
    %add3A_41 = arith.addi %mul3A_2, %add3A_40 : i32
    %dma_start3A_42 = arith.constant 3 : i32
    %dma_start3A_43 = arith.constant 0 : i32
    %dma_start3A_44 = tpu.memref_slice %arg5[%dma_start3A_42, %dma_start3A_43] : memref<4x144xi32, #tpu.memory_space<vmem>> -> memref<1x128xi32, #tpu.memory_space<vmem>>
    %dma_start3A_45 = arith.constant 0 : i32
    %dma_start3A_46 = tpu.memref_slice %arg2[%add3A_41, %dma_start3A_45] : memref<25600x128xi32, #tpu.memory_space<hbm>> -> memref<1x128xi32, #tpu.memory_space<hbm>>
    %dma_start3A_47 = arith.constant 3 : i32
    %dma_start3A_48 = arith.constant 0 : i32
    %dma_start3A_49 = tpu.memref_slice %arg5[%dma_start3A_47, %dma_start3A_48] : memref<4x144xi32, #tpu.memory_space<vmem>> -> memref<1x128xi32, #tpu.memory_space<vmem>>
    %dma_start3A_50 = arith.constant 0 : i32
    %dma_start3A_51 = tpu.memref_slice %arg2[%add3A_41, %dma_start3A_50] : memref<25600x128xi32, #tpu.memory_space<hbm>> -> memref<1x128xi32, #tpu.memory_space<hbm>>
    tpu.enqueue_dma source(%dma_start3A_51 : memref<1x128xi32, #tpu.memory_space<hbm>>) target(%dma_start3A_49 : memref<1x128xi32, #tpu.memory_space<vmem>>) target_semaphore(%arg15 : memref<!tpu.dma_semaphore, #tpu.memory_space<semaphore_mem>>)
    %scan3A = arith.constant 0 : i32
    %scan3A_52 = arith.constant 200 : i32
    %scan3A_53 = arith.addi %scan3A, %scan3A_52 : i32
    %scan3A_54 = arith.constant 1 : i32
    scf.for %scan3A_103 = %scan3A to %scan3A_53 step %scan3A_54  : i32 {
      %mul3A_104 = arith.constant 4 : i32
      %mul3A_105 = arith.muli %scan3A_103, %mul3A_104 : i32
      %add3A_106 = arith.constant 0 : i32
      %add3A_107 = arith.addi %mul3A_105, %add3A_106 : i32
      %dma_wait3A_108 = arith.constant 0 : i32
      %dma_wait3A_109 = arith.constant 0 : i32
      %dma_wait3A_110 = tpu.memref_slice %arg5[%dma_wait3A_108, %dma_wait3A_109] : memref<4x144xi32, #tpu.memory_space<vmem>> -> memref<1x128xi32, #tpu.memory_space<vmem>>
      %dma_wait3A_111 = arith.constant 0 : i32
      %dma_wait3A_112 = arith.constant 0 : i32
      %dma_wait3A_113 = tpu.memref_slice %arg2[%dma_wait3A_111, %dma_wait3A_112] : memref<25600x128xi32, #tpu.memory_space<hbm>> -> memref<1x128xi32, #tpu.memory_space<hbm>>
      %dma_wait3A_114 = arith.constant 0 : i32
      %dma_wait3A_115 = arith.constant 0 : i32
      %dma_wait3A_116 = tpu.memref_slice %arg5[%dma_wait3A_114, %dma_wait3A_115] : memref<4x144xi32, #tpu.memory_space<vmem>> -> memref<1x128xi32, #tpu.memory_space<vmem>>
      %dma_wait3A_117 = arith.constant 0 : i32
      %dma_wait3A_118 = arith.constant 0 : i32
      %dma_wait3A_119 = tpu.memref_slice %arg2[%dma_wait3A_117, %dma_wait3A_118] : memref<25600x128xi32, #tpu.memory_space<hbm>> -> memref<1x128xi32, #tpu.memory_space<hbm>>
      tpu.wait_dma2 semaphore(%arg12 : memref<!tpu.dma_semaphore, #tpu.memory_space<semaphore_mem>>) src(%dma_wait3A_119 : memref<1x128xi32, #tpu.memory_space<hbm>>) dst(%dma_wait3A_116 : memref<1x128xi32, #tpu.memory_space<vmem>>)
      %gt3A = arith.constant 0 : i32
      %gt3A_120 = arith.cmpi sgt, %scan3A_103, %gt3A : i32
      %convert_element_type3A = arith.extui %gt3A_120 : i1 to i32
      %cond3A = arith.constant 0 : i32
      %cond3A_121 = arith.cmpi ne, %convert_element_type3A, %cond3A : i32
      scf.if %cond3A_121 {
        %dma_wait3A_275 = arith.constant 0 : i32
        %dma_wait3A_276 = arith.constant 0 : i32
        %dma_wait3A_277 = tpu.memref_slice %arg7[%dma_wait3A_275, %dma_wait3A_276] : memref<512x128xf32, #tpu.memory_space<vmem>> -> memref<128x128xf32, #tpu.memory_space<vmem>>
        %dma_wait3A_278 = arith.constant 0 : i32
        %dma_wait3A_279 = arith.constant 0 : i32
        %dma_wait3A_280 = tpu.memref_slice %arg4[%dma_wait3A_278, %dma_wait3A_279] : memref<3276800x128xf32, #tpu.memory_space<hbm>> -> memref<128x128xf32, #tpu.memory_space<hbm>>
        %dma_wait3A_281 = arith.constant 0 : i32
        %dma_wait3A_282 = arith.constant 0 : i32
        %dma_wait3A_283 = tpu.memref_slice %arg4[%dma_wait3A_281, %dma_wait3A_282] : memref<3276800x128xf32, #tpu.memory_space<hbm>> -> memref<128x128xf32, #tpu.memory_space<hbm>>
        %dma_wait3A_284 = arith.constant 0 : i32
        %dma_wait3A_285 = arith.constant 0 : i32
        %dma_wait3A_286 = tpu.memref_slice %arg7[%dma_wait3A_284, %dma_wait3A_285] : memref<512x128xf32, #tpu.memory_space<vmem>> -> memref<128x128xf32, #tpu.memory_space<vmem>>
        tpu.wait_dma2 semaphore(%arg8 : memref<!tpu.dma_semaphore, #tpu.memory_space<semaphore_mem>>) src(%dma_wait3A_286 : memref<128x128xf32, #tpu.memory_space<vmem>>) dst(%dma_wait3A_283 : memref<128x128xf32, #tpu.memory_space<hbm>>)
      } else {
      }
      %parallel_loop3A = arith.constant 0 : i32
      %parallel_loop3A_122 = arith.constant 128 : i32
      %parallel_loop3A_123 = arith.constant 1 : i32
      scf.for %parallel_loop3A_275 = %parallel_loop3A to %parallel_loop3A_122 step %parallel_loop3A_123  : i32 {
        %parallel_loop3A_276 = arith.constant 0 : i32
        %parallel_loop3A_277 = arith.index_cast %parallel_loop3A_276 : i32 to index
        %parallel_loop3A_278 = arith.index_cast %parallel_loop3A_275 : i32 to index
        %parallel_loop3A_279 = tpu.vector_load %arg5[%parallel_loop3A_277, %parallel_loop3A_278] {strides = array<i32>} : memref<4x144xi32, #tpu.memory_space<vmem>>, vector<16xi32>,
        %parallel_loop3A_280 = vector.extract_strided_slice %parallel_loop3A_279 {offsets = [0], sizes = [1], strides = [1]} : vector<16xi32> to vector<1xi32>
        %parallel_loop3A_281 = vector.extract %parallel_loop3A_280[0] : i32 from vector<1xi32>
        %parallel_loop3A_282 = arith.constant 0 : i32
        %parallel_loop3A_283 = arith.maxsi %parallel_loop3A_281, %parallel_loop3A_282 : i32
        %parallel_loop3A_284 = arith.constant 9 : i32
        %parallel_loop3A_285 = arith.minsi %parallel_loop3A_283, %parallel_loop3A_284 : i32
        %parallel_loop3A_286 = arith.index_cast %parallel_loop3A_285 : i32 to index
        %parallel_loop3A_287 = arith.constant 0 : index
        %parallel_loop3A_288 = tpu.vector_load %arg6[%parallel_loop3A_286, %parallel_loop3A_287] {strides = array<i32>} : memref<10x128xf32, #tpu.memory_space<vmem>>, vector<16xf32>,
        %parallel_loop3A_289 = arith.constant 0 : i32
        %parallel_loop3A_290 = arith.addi %parallel_loop3A_289, %parallel_loop3A_275 : i32
        %parallel_loop3A_291 = arith.index_cast %parallel_loop3A_290 : i32 to index
        %parallel_loop3A_292 = arith.constant 0 : index
        %parallel_loop3A_293 = tpu.vector_load %arg7[%parallel_loop3A_291, %parallel_loop3A_292] {strides = array<i32>} : memref<512x128xf32, #tpu.memory_space<vmem>>, vector<16xf32>,
        tpu.vector_store %arg7[%parallel_loop3A_291, %parallel_loop3A_292], %parallel_loop3A_288 {strides = array<i32>} : memref<512x128xf32, #tpu.memory_space<vmem>>, vector<16xf32>,
        %parallel_loop3A_294 = arith.index_cast %parallel_loop3A_285 : i32 to index
        %parallel_loop3A_295 = arith.constant 16 : index
        %parallel_loop3A_296 = tpu.vector_load %arg6[%parallel_loop3A_294, %parallel_loop3A_295] {strides = array<i32>} : memref<10x128xf32, #tpu.memory_space<vmem>>, vector<16xf32>,
        %parallel_loop3A_297 = arith.constant 0 : i32
        %parallel_loop3A_298 = arith.addi %parallel_loop3A_297, %parallel_loop3A_275 : i32
        %parallel_loop3A_299 = arith.index_cast %parallel_loop3A_298 : i32 to index
        %parallel_loop3A_300 = arith.constant 16 : index
        %parallel_loop3A_301 = tpu.vector_load %arg7[%parallel_loop3A_299, %parallel_loop3A_300] {strides = array<i32>} : memref<512x128xf32, #tpu.memory_space<vmem>>, vector<16xf32>,
        tpu.vector_store %arg7[%parallel_loop3A_299, %parallel_loop3A_300], %parallel_loop3A_296 {strides = array<i32>} : memref<512x128xf32, #tpu.memory_space<vmem>>, vector<16xf32>,
        %parallel_loop3A_302 = arith.index_cast %parallel_loop3A_285 : i32 to index
        %parallel_loop3A_303 = arith.constant 32 : index
        %parallel_loop3A_304 = tpu.vector_load %arg6[%parallel_loop3A_302, %parallel_loop3A_303] {strides = array<i32>} : memref<10x128xf32, #tpu.memory_space<vmem>>, vector<16xf32>,
        %parallel_loop3A_305 = arith.constant 0 : i32
        %parallel_loop3A_306 = arith.addi %parallel_loop3A_305, %parallel_loop3A_275 : i32
        %parallel_loop3A_307 = arith.index_cast %parallel_loop3A_306 : i32 to index
        %parallel_loop3A_308 = arith.constant 32 : index
        %parallel_loop3A_309 = tpu.vector_load %arg7[%parallel_loop3A_307, %parallel_loop3A_308] {strides = array<i32>} : memref<512x128xf32, #tpu.memory_space<vmem>>, vector<16xf32>,
        tpu.vector_store %arg7[%parallel_loop3A_307, %parallel_loop3A_308], %parallel_loop3A_304 {strides = array<i32>} : memref<512x128xf32, #tpu.memory_space<vmem>>, vector<16xf32>,
        %parallel_loop3A_310 = arith.index_cast %parallel_loop3A_285 : i32 to index
        %parallel_loop3A_311 = arith.constant 48 : index
        %parallel_loop3A_312 = tpu.vector_load %arg6[%parallel_loop3A_310, %parallel_loop3A_311] {strides = array<i32>} : memref<10x128xf32, #tpu.memory_space<vmem>>, vector<16xf32>,
        %parallel_loop3A_313 = arith.constant 0 : i32
        %parallel_loop3A_314 = arith.addi %parallel_loop3A_313, %parallel_loop3A_275 : i32
        %parallel_loop3A_315 = arith.index_cast %parallel_loop3A_314 : i32 to index
        %parallel_loop3A_316 = arith.constant 48 : index
        %parallel_loop3A_317 = tpu.vector_load %arg7[%parallel_loop3A_315, %parallel_loop3A_316] {strides = array<i32>} : memref<512x128xf32, #tpu.memory_space<vmem>>, vector<16xf32>,
        tpu.vector_store %arg7[%parallel_loop3A_315, %parallel_loop3A_316], %parallel_loop3A_312 {strides = array<i32>} : memref<512x128xf32, #tpu.memory_space<vmem>>, vector<16xf32>,
        %parallel_loop3A_318 = arith.index_cast %parallel_loop3A_285 : i32 to index
        %parallel_loop3A_319 = arith.constant 64 : index
        %parallel_loop3A_320 = tpu.vector_load %arg6[%parallel_loop3A_318, %parallel_loop3A_319] {strides = array<i32>} : memref<10x128xf32, #tpu.memory_space<vmem>>, vector<16xf32>,
        %parallel_loop3A_321 = arith.constant 0 : i32
        %parallel_loop3A_322 = arith.addi %parallel_loop3A_321, %parallel_loop3A_275 : i32
        %parallel_loop3A_323 = arith.index_cast %parallel_loop3A_322 : i32 to index
        %parallel_loop3A_324 = arith.constant 64 : index
        %parallel_loop3A_325 = tpu.vector_load %arg7[%parallel_loop3A_323, %parallel_loop3A_324] {strides = array<i32>} : memref<512x128xf32, #tpu.memory_space<vmem>>, vector<16xf32>,
        tpu.vector_store %arg7[%parallel_loop3A_323, %parallel_loop3A_324], %parallel_loop3A_320 {strides = array<i32>} : memref<512x128xf32, #tpu.memory_space<vmem>>, vector<16xf32>,
        %parallel_loop3A_326 = arith.index_cast %parallel_loop3A_285 : i32 to index
        %parallel_loop3A_327 = arith.constant 80 : index
        %parallel_loop3A_328 = tpu.vector_load %arg6[%parallel_loop3A_326, %parallel_loop3A_327] {strides = array<i32>} : memref<10x128xf32, #tpu.memory_space<vmem>>, vector<16xf32>,
        %parallel_loop3A_329 = arith.constant 0 : i32
        %parallel_loop3A_330 = arith.addi %parallel_loop3A_329, %parallel_loop3A_275 : i32
        %parallel_loop3A_331 = arith.index_cast %parallel_loop3A_330 : i32 to index
        %parallel_loop3A_332 = arith.constant 80 : index
        %parallel_loop3A_333 = tpu.vector_load %arg7[%parallel_loop3A_331, %parallel_loop3A_332] {strides = array<i32>} : memref<512x128xf32, #tpu.memory_space<vmem>>, vector<16xf32>,
        tpu.vector_store %arg7[%parallel_loop3A_331, %parallel_loop3A_332], %parallel_loop3A_328 {strides = array<i32>} : memref<512x128xf32, #tpu.memory_space<vmem>>, vector<16xf32>,
        %parallel_loop3A_334 = arith.index_cast %parallel_loop3A_285 : i32 to index
        %parallel_loop3A_335 = arith.constant 96 : index
        %parallel_loop3A_336 = tpu.vector_load %arg6[%parallel_loop3A_334, %parallel_loop3A_335] {strides = array<i32>} : memref<10x128xf32, #tpu.memory_space<vmem>>, vector<16xf32>,
        %parallel_loop3A_337 = arith.constant 0 : i32
        %parallel_loop3A_338 = arith.addi %parallel_loop3A_337, %parallel_loop3A_275 : i32
        %parallel_loop3A_339 = arith.index_cast %parallel_loop3A_338 : i32 to index
        %parallel_loop3A_340 = arith.constant 96 : index
        %parallel_loop3A_341 = tpu.vector_load %arg7[%parallel_loop3A_339, %parallel_loop3A_340] {strides = array<i32>} : memref<512x128xf32, #tpu.memory_space<vmem>>, vector<16xf32>,
        tpu.vector_store %arg7[%parallel_loop3A_339, %parallel_loop3A_340], %parallel_loop3A_336 {strides = array<i32>} : memref<512x128xf32, #tpu.memory_space<vmem>>, vector<16xf32>,
        %parallel_loop3A_342 = arith.index_cast %parallel_loop3A_285 : i32 to index
        %parallel_loop3A_343 = arith.constant 112 : index
        %parallel_loop3A_344 = tpu.vector_load %arg6[%parallel_loop3A_342, %parallel_loop3A_343] {strides = array<i32>} : memref<10x128xf32, #tpu.memory_space<vmem>>, vector<16xf32>,
        %parallel_loop3A_345 = arith.constant 0 : i32
        %parallel_loop3A_346 = arith.addi %parallel_loop3A_345, %parallel_loop3A_275 : i32
        %parallel_loop3A_347 = arith.index_cast %parallel_loop3A_346 : i32 to index
        %parallel_loop3A_348 = arith.constant 112 : index
        %parallel_loop3A_349 = tpu.vector_load %arg7[%parallel_loop3A_347, %parallel_loop3A_348] {strides = array<i32>} : memref<512x128xf32, #tpu.memory_space<vmem>>, vector<16xf32>,
        tpu.vector_store %arg7[%parallel_loop3A_347, %parallel_loop3A_348], %parallel_loop3A_344 {strides = array<i32>} : memref<512x128xf32, #tpu.memory_space<vmem>>, vector<16xf32>,
      } {sc.loop_unroll_factor = 4 : i64, sc.parallel_access}
      %mul3A_124 = arith.constant 128 : i32
      %mul3A_125 = arith.muli %add3A_107, %mul3A_124 : i32
      %add3A_126 = arith.addi %mul3A_4, %mul3A_125 : i32
      %dma_start3A_127 = arith.constant 0 : i32
      %dma_start3A_128 = arith.constant 0 : i32
      %dma_start3A_129 = tpu.memref_slice %arg7[%dma_start3A_127, %dma_start3A_128] : memref<512x128xf32, #tpu.memory_space<vmem>> -> memref<128x128xf32, #tpu.memory_space<vmem>>
      %dma_start3A_130 = arith.constant 0 : i32
      %dma_start3A_131 = tpu.memref_slice %arg4[%add3A_126, %dma_start3A_130] : memref<3276800x128xf32, #tpu.memory_space<hbm>> -> memref<128x128xf32, #tpu.memory_space<hbm>>
      %dma_start3A_132 = arith.constant 0 : i32
      %dma_start3A_133 = tpu.memref_slice %arg4[%add3A_126, %dma_start3A_132] : memref<3276800x128xf32, #tpu.memory_space<hbm>> -> memref<128x128xf32, #tpu.memory_space<hbm>>
      %dma_start3A_134 = arith.constant 0 : i32
      %dma_start3A_135 = arith.constant 0 : i32
      %dma_start3A_136 = tpu.memref_slice %arg7[%dma_start3A_134, %dma_start3A_135] : memref<512x128xf32, #tpu.memory_space<vmem>> -> memref<128x128xf32, #tpu.memory_space<vmem>>
      tpu.enqueue_dma source(%dma_start3A_136 : memref<128x128xf32, #tpu.memory_space<vmem>>) target(%dma_start3A_133 : memref<128x128xf32, #tpu.memory_space<hbm>>) target_semaphore(%arg8 : memref<!tpu.dma_semaphore, #tpu.memory_space<semaphore_mem>>)
      %add3A_137 = arith.constant 4 : i32
      %add3A_138 = arith.addi %add3A_107, %add3A_137 : i32
      %lt3A = arith.constant 800 : i32
      %lt3A_139 = arith.cmpi slt, %add3A_138, %lt3A : i32
      %convert_element_type3A_140 = arith.extui %lt3A_139 : i1 to i32
      %cond3A_141 = arith.constant 0 : i32
      %cond3A_142 = arith.cmpi ne, %convert_element_type3A_140, %cond3A_141 : i32
      scf.if %cond3A_142 {
        %add3A_275 = arith.constant 4 : i32
        %add3A_276 = arith.addi %add3A_107, %add3A_275 : i32
        %add3A_277 = arith.addi %mul3A_2, %add3A_276 : i32
        %dma_start3A_278 = arith.constant 0 : i32
        %dma_start3A_279 = arith.constant 0 : i32
        %dma_start3A_280 = tpu.memref_slice %arg5[%dma_start3A_278, %dma_start3A_279] : memref<4x144xi32, #tpu.memory_space<vmem>> -> memref<1x128xi32, #tpu.memory_space<vmem>>
        %dma_start3A_281 = arith.constant 0 : i32
        %dma_start3A_282 = tpu.memref_slice %arg2[%add3A_277, %dma_start3A_281] : memref<25600x128xi32, #tpu.memory_space<hbm>> -> memref<1x128xi32, #tpu.memory_space<hbm>>
        %dma_start3A_283 = arith.constant 0 : i32
        %dma_start3A_284 = arith.constant 0 : i32
        %dma_start3A_285 = tpu.memref_slice %arg5[%dma_start3A_283, %dma_start3A_284] : memref<4x144xi32, #tpu.memory_space<vmem>> -> memref<1x128xi32, #tpu.memory_space<vmem>>
        %dma_start3A_286 = arith.constant 0 : i32
        %dma_start3A_287 = tpu.memref_slice %arg2[%add3A_277, %dma_start3A_286] : memref<25600x128xi32, #tpu.memory_space<hbm>> -> memref<1x128xi32, #tpu.memory_space<hbm>>
        tpu.enqueue_dma source(%dma_start3A_287 : memref<1x128xi32, #tpu.memory_space<hbm>>) target(%dma_start3A_285 : memref<1x128xi32, #tpu.memory_space<vmem>>) target_semaphore(%arg12 : memref<!tpu.dma_semaphore, #tpu.memory_space<semaphore_mem>>)
      } else {
      }
      %mul3A_143 = arith.constant 4 : i32
      %mul3A_144 = arith.muli %scan3A_103, %mul3A_143 : i32
      %add3A_145 = arith.constant 1 : i32
      %add3A_146 = arith.addi %mul3A_144, %add3A_145 : i32
      %dma_wait3A_147 = arith.constant 1 : i32
      %dma_wait3A_148 = arith.constant 0 : i32
      %dma_wait3A_149 = tpu.memref_slice %arg5[%dma_wait3A_147, %dma_wait3A_148] : memref<4x144xi32, #tpu.memory_space<vmem>> -> memref<1x128xi32, #tpu.memory_space<vmem>>
      %dma_wait3A_150 = arith.constant 0 : i32
      %dma_wait3A_151 = arith.constant 0 : i32
      %dma_wait3A_152 = tpu.memref_slice %arg2[%dma_wait3A_150, %dma_wait3A_151] : memref<25600x128xi32, #tpu.memory_space<hbm>> -> memref<1x128xi32, #tpu.memory_space<hbm>>
      %dma_wait3A_153 = arith.constant 1 : i32
      %dma_wait3A_154 = arith.constant 0 : i32
      %dma_wait3A_155 = tpu.memref_slice %arg5[%dma_wait3A_153, %dma_wait3A_154] : memref<4x144xi32, #tpu.memory_space<vmem>> -> memref<1x128xi32, #tpu.memory_space<vmem>>
      %dma_wait3A_156 = arith.constant 0 : i32
      %dma_wait3A_157 = arith.constant 0 : i32
      %dma_wait3A_158 = tpu.memref_slice %arg2[%dma_wait3A_156, %dma_wait3A_157] : memref<25600x128xi32, #tpu.memory_space<hbm>> -> memref<1x128xi32, #tpu.memory_space<hbm>>
      tpu.wait_dma2 semaphore(%arg13 : memref<!tpu.dma_semaphore, #tpu.memory_space<semaphore_mem>>) src(%dma_wait3A_158 : memref<1x128xi32, #tpu.memory_space<hbm>>) dst(%dma_wait3A_155 : memref<1x128xi32, #tpu.memory_space<vmem>>)
      %gt3A_159 = arith.constant 0 : i32
      %gt3A_160 = arith.cmpi sgt, %scan3A_103, %gt3A_159 : i32
      %convert_element_type3A_161 = arith.extui %gt3A_160 : i1 to i32
      %cond3A_162 = arith.constant 0 : i32
      %cond3A_163 = arith.cmpi ne, %convert_element_type3A_161, %cond3A_162 : i32
      scf.if %cond3A_163 {
        %dma_wait3A_275 = arith.constant 128 : i32
        %dma_wait3A_276 = arith.constant 0 : i32
        %dma_wait3A_277 = tpu.memref_slice %arg7[%dma_wait3A_275, %dma_wait3A_276] : memref<512x128xf32, #tpu.memory_space<vmem>> -> memref<128x128xf32, #tpu.memory_space<vmem>>
        %dma_wait3A_278 = arith.constant 0 : i32
        %dma_wait3A_279 = arith.constant 0 : i32
        %dma_wait3A_280 = tpu.memref_slice %arg4[%dma_wait3A_278, %dma_wait3A_279] : memref<3276800x128xf32, #tpu.memory_space<hbm>> -> memref<128x128xf32, #tpu.memory_space<hbm>>
        %dma_wait3A_281 = arith.constant 0 : i32
        %dma_wait3A_282 = arith.constant 0 : i32
        %dma_wait3A_283 = tpu.memref_slice %arg4[%dma_wait3A_281, %dma_wait3A_282] : memref<3276800x128xf32, #tpu.memory_space<hbm>> -> memref<128x128xf32, #tpu.memory_space<hbm>>
        %dma_wait3A_284 = arith.constant 128 : i32
        %dma_wait3A_285 = arith.constant 0 : i32
        %dma_wait3A_286 = tpu.memref_slice %arg7[%dma_wait3A_284, %dma_wait3A_285] : memref<512x128xf32, #tpu.memory_space<vmem>> -> memref<128x128xf32, #tpu.memory_space<vmem>>
        tpu.wait_dma2 semaphore(%arg9 : memref<!tpu.dma_semaphore, #tpu.memory_space<semaphore_mem>>) src(%dma_wait3A_286 : memref<128x128xf32, #tpu.memory_space<vmem>>) dst(%dma_wait3A_283 : memref<128x128xf32, #tpu.memory_space<hbm>>)
      } else {
      }
      %parallel_loop3A_164 = arith.constant 0 : i32
      %parallel_loop3A_165 = arith.constant 128 : i32
      %parallel_loop3A_166 = arith.constant 1 : i32
      scf.for %parallel_loop3A_275 = %parallel_loop3A_164 to %parallel_loop3A_165 step %parallel_loop3A_166  : i32 {
        %parallel_loop3A_276 = arith.constant 1 : i32
        %parallel_loop3A_277 = arith.index_cast %parallel_loop3A_276 : i32 to index
        %parallel_loop3A_278 = arith.index_cast %parallel_loop3A_275 : i32 to index
        %parallel_loop3A_279 = tpu.vector_load %arg5[%parallel_loop3A_277, %parallel_loop3A_278] {strides = array<i32>} : memref<4x144xi32, #tpu.memory_space<vmem>>, vector<16xi32>,
        %parallel_loop3A_280 = vector.extract_strided_slice %parallel_loop3A_279 {offsets = [0], sizes = [1], strides = [1]} : vector<16xi32> to vector<1xi32>
        %parallel_loop3A_281 = vector.extract %parallel_loop3A_280[0] : i32 from vector<1xi32>
        %parallel_loop3A_282 = arith.constant 0 : i32
        %parallel_loop3A_283 = arith.maxsi %parallel_loop3A_281, %parallel_loop3A_282 : i32
        %parallel_loop3A_284 = arith.constant 9 : i32
        %parallel_loop3A_285 = arith.minsi %parallel_loop3A_283, %parallel_loop3A_284 : i32
        %parallel_loop3A_286 = arith.index_cast %parallel_loop3A_285 : i32 to index
        %parallel_loop3A_287 = arith.constant 0 : index
        %parallel_loop3A_288 = tpu.vector_load %arg6[%parallel_loop3A_286, %parallel_loop3A_287] {strides = array<i32>} : memref<10x128xf32, #tpu.memory_space<vmem>>, vector<16xf32>,
        %parallel_loop3A_289 = arith.constant 128 : i32
        %parallel_loop3A_290 = arith.addi %parallel_loop3A_289, %parallel_loop3A_275 : i32
        %parallel_loop3A_291 = arith.index_cast %parallel_loop3A_290 : i32 to index
        %parallel_loop3A_292 = arith.constant 0 : index
        %parallel_loop3A_293 = tpu.vector_load %arg7[%parallel_loop3A_291, %parallel_loop3A_292] {strides = array<i32>} : memref<512x128xf32, #tpu.memory_space<vmem>>, vector<16xf32>,
        tpu.vector_store %arg7[%parallel_loop3A_291, %parallel_loop3A_292], %parallel_loop3A_288 {strides = array<i32>} : memref<512x128xf32, #tpu.memory_space<vmem>>, vector<16xf32>,
        %parallel_loop3A_294 = arith.index_cast %parallel_loop3A_285 : i32 to index
        %parallel_loop3A_295 = arith.constant 16 : index
        %parallel_loop3A_296 = tpu.vector_load %arg6[%parallel_loop3A_294, %parallel_loop3A_295] {strides = array<i32>} : memref<10x128xf32, #tpu.memory_space<vmem>>, vector<16xf32>,
        %parallel_loop3A_297 = arith.constant 128 : i32
        %parallel_loop3A_298 = arith.addi %parallel_loop3A_297, %parallel_loop3A_275 : i32
        %parallel_loop3A_299 = arith.index_cast %parallel_loop3A_298 : i32 to index
        %parallel_loop3A_300 = arith.constant 16 : index
        %parallel_loop3A_301 = tpu.vector_load %arg7[%parallel_loop3A_299, %parallel_loop3A_300] {strides = array<i32>} : memref<512x128xf32, #tpu.memory_space<vmem>>, vector<16xf32>,
        tpu.vector_store %arg7[%parallel_loop3A_299, %parallel_loop3A_300], %parallel_loop3A_296 {strides = array<i32>} : memref<512x128xf32, #tpu.memory_space<vmem>>, vector<16xf32>,
        %parallel_loop3A_302 = arith.index_cast %parallel_loop3A_285 : i32 to index
        %parallel_loop3A_303 = arith.constant 32 : index
        %parallel_loop3A_304 = tpu.vector_load %arg6[%parallel_loop3A_302, %parallel_loop3A_303] {strides = array<i32>} : memref<10x128xf32, #tpu.memory_space<vmem>>, vector<16xf32>,
        %parallel_loop3A_305 = arith.constant 128 : i32
        %parallel_loop3A_306 = arith.addi %parallel_loop3A_305, %parallel_loop3A_275 : i32
        %parallel_loop3A_307 = arith.index_cast %parallel_loop3A_306 : i32 to index
        %parallel_loop3A_308 = arith.constant 32 : index
        %parallel_loop3A_309 = tpu.vector_load %arg7[%parallel_loop3A_307, %parallel_loop3A_308] {strides = array<i32>} : memref<512x128xf32, #tpu.memory_space<vmem>>, vector<16xf32>,
        tpu.vector_store %arg7[%parallel_loop3A_307, %parallel_loop3A_308], %parallel_loop3A_304 {strides = array<i32>} : memref<512x128xf32, #tpu.memory_space<vmem>>, vector<16xf32>,
        %parallel_loop3A_310 = arith.index_cast %parallel_loop3A_285 : i32 to index
        %parallel_loop3A_311 = arith.constant 48 : index
        %parallel_loop3A_312 = tpu.vector_load %arg6[%parallel_loop3A_310, %parallel_loop3A_311] {strides = array<i32>} : memref<10x128xf32, #tpu.memory_space<vmem>>, vector<16xf32>,
        %parallel_loop3A_313 = arith.constant 128 : i32
        %parallel_loop3A_314 = arith.addi %parallel_loop3A_313, %parallel_loop3A_275 : i32
        %parallel_loop3A_315 = arith.index_cast %parallel_loop3A_314 : i32 to index
        %parallel_loop3A_316 = arith.constant 48 : index
        %parallel_loop3A_317 = tpu.vector_load %arg7[%parallel_loop3A_315, %parallel_loop3A_316] {strides = array<i32>} : memref<512x128xf32, #tpu.memory_space<vmem>>, vector<16xf32>,
        tpu.vector_store %arg7[%parallel_loop3A_315, %parallel_loop3A_316], %parallel_loop3A_312 {strides = array<i32>} : memref<512x128xf32, #tpu.memory_space<vmem>>, vector<16xf32>,
        %parallel_loop3A_318 = arith.index_cast %parallel_loop3A_285 : i32 to index
        %parallel_loop3A_319 = arith.constant 64 : index
        %parallel_loop3A_320 = tpu.vector_load %arg6[%parallel_loop3A_318, %parallel_loop3A_319] {strides = array<i32>} : memref<10x128xf32, #tpu.memory_space<vmem>>, vector<16xf32>,
        %parallel_loop3A_321 = arith.constant 128 : i32
        %parallel_loop3A_322 = arith.addi %parallel_loop3A_321, %parallel_loop3A_275 : i32
        %parallel_loop3A_323 = arith.index_cast %parallel_loop3A_322 : i32 to index
        %parallel_loop3A_324 = arith.constant 64 : index
        %parallel_loop3A_325 = tpu.vector_load %arg7[%parallel_loop3A_323, %parallel_loop3A_324] {strides = array<i32>} : memref<512x128xf32, #tpu.memory_space<vmem>>, vector<16xf32>,
        tpu.vector_store %arg7[%parallel_loop3A_323, %parallel_loop3A_324], %parallel_loop3A_320 {strides = array<i32>} : memref<512x128xf32, #tpu.memory_space<vmem>>, vector<16xf32>,
        %parallel_loop3A_326 = arith.index_cast %parallel_loop3A_285 : i32 to index
        %parallel_loop3A_327 = arith.constant 80 : index
        %parallel_loop3A_328 = tpu.vector_load %arg6[%parallel_loop3A_326, %parallel_loop3A_327] {strides = array<i32>} : memref<10x128xf32, #tpu.memory_space<vmem>>, vector<16xf32>,
        %parallel_loop3A_329 = arith.constant 128 : i32
        %parallel_loop3A_330 = arith.addi %parallel_loop3A_329, %parallel_loop3A_275 : i32
        %parallel_loop3A_331 = arith.index_cast %parallel_loop3A_330 : i32 to index
        %parallel_loop3A_332 = arith.constant 80 : index
        %parallel_loop3A_333 = tpu.vector_load %arg7[%parallel_loop3A_331, %parallel_loop3A_332] {strides = array<i32>} : memref<512x128xf32, #tpu.memory_space<vmem>>, vector<16xf32>,
        tpu.vector_store %arg7[%parallel_loop3A_331, %parallel_loop3A_332], %parallel_loop3A_328 {strides = array<i32>} : memref<512x128xf32, #tpu.memory_space<vmem>>, vector<16xf32>,
        %parallel_loop3A_334 = arith.index_cast %parallel_loop3A_285 : i32 to index
        %parallel_loop3A_335 = arith.constant 96 : index
        %parallel_loop3A_336 = tpu.vector_load %arg6[%parallel_loop3A_334, %parallel_loop3A_335] {strides = array<i32>} : memref<10x128xf32, #tpu.memory_space<vmem>>, vector<16xf32>,
        %parallel_loop3A_337 = arith.constant 128 : i32
        %parallel_loop3A_338 = arith.addi %parallel_loop3A_337, %parallel_loop3A_275 : i32
        %parallel_loop3A_339 = arith.index_cast %parallel_loop3A_338 : i32 to index
        %parallel_loop3A_340 = arith.constant 96 : index
        %parallel_loop3A_341 = tpu.vector_load %arg7[%parallel_loop3A_339, %parallel_loop3A_340] {strides = array<i32>} : memref<512x128xf32, #tpu.memory_space<vmem>>, vector<16xf32>,
        tpu.vector_store %arg7[%parallel_loop3A_339, %parallel_loop3A_340], %parallel_loop3A_336 {strides = array<i32>} : memref<512x128xf32, #tpu.memory_space<vmem>>, vector<16xf32>,
        %parallel_loop3A_342 = arith.index_cast %parallel_loop3A_285 : i32 to index
        %parallel_loop3A_343 = arith.constant 112 : index
        %parallel_loop3A_344 = tpu.vector_load %arg6[%parallel_loop3A_342, %parallel_loop3A_343] {strides = array<i32>} : memref<10x128xf32, #tpu.memory_space<vmem>>, vector<16xf32>,
        %parallel_loop3A_345 = arith.constant 128 : i32
        %parallel_loop3A_346 = arith.addi %parallel_loop3A_345, %parallel_loop3A_275 : i32
        %parallel_loop3A_347 = arith.index_cast %parallel_loop3A_346 : i32 to index
        %parallel_loop3A_348 = arith.constant 112 : index
        %parallel_loop3A_349 = tpu.vector_load %arg7[%parallel_loop3A_347, %parallel_loop3A_348] {strides = array<i32>} : memref<512x128xf32, #tpu.memory_space<vmem>>, vector<16xf32>,
        tpu.vector_store %arg7[%parallel_loop3A_347, %parallel_loop3A_348], %parallel_loop3A_344 {strides = array<i32>} : memref<512x128xf32, #tpu.memory_space<vmem>>, vector<16xf32>,
      } {sc.loop_unroll_factor = 4 : i64, sc.parallel_access}
      %mul3A_167 = arith.constant 128 : i32
      %mul3A_168 = arith.muli %add3A_146, %mul3A_167 : i32
      %add3A_169 = arith.addi %mul3A_4, %mul3A_168 : i32
      %dma_start3A_170 = arith.constant 128 : i32
      %dma_start3A_171 = arith.constant 0 : i32
      %dma_start3A_172 = tpu.memref_slice %arg7[%dma_start3A_170, %dma_start3A_171] : memref<512x128xf32, #tpu.memory_space<vmem>> -> memref<128x128xf32, #tpu.memory_space<vmem>>
      %dma_start3A_173 = arith.constant 0 : i32
      %dma_start3A_174 = tpu.memref_slice %arg4[%add3A_169, %dma_start3A_173] : memref<3276800x128xf32, #tpu.memory_space<hbm>> -> memref<128x128xf32, #tpu.memory_space<hbm>>
      %dma_start3A_175 = arith.constant 0 : i32
      %dma_start3A_176 = tpu.memref_slice %arg4[%add3A_169, %dma_start3A_175] : memref<3276800x128xf32, #tpu.memory_space<hbm>> -> memref<128x128xf32, #tpu.memory_space<hbm>>
      %dma_start3A_177 = arith.constant 128 : i32
      %dma_start3A_178 = arith.constant 0 : i32
      %dma_start3A_179 = tpu.memref_slice %arg7[%dma_start3A_177, %dma_start3A_178] : memref<512x128xf32, #tpu.memory_space<vmem>> -> memref<128x128xf32, #tpu.memory_space<vmem>>
      tpu.enqueue_dma source(%dma_start3A_179 : memref<128x128xf32, #tpu.memory_space<vmem>>) target(%dma_start3A_176 : memref<128x128xf32, #tpu.memory_space<hbm>>) target_semaphore(%arg9 : memref<!tpu.dma_semaphore, #tpu.memory_space<semaphore_mem>>)
      %add3A_180 = arith.constant 4 : i32
      %add3A_181 = arith.addi %add3A_146, %add3A_180 : i32
      %lt3A_182 = arith.constant 800 : i32
      %lt3A_183 = arith.cmpi slt, %add3A_181, %lt3A_182 : i32
      %convert_element_type3A_184 = arith.extui %lt3A_183 : i1 to i32
      %cond3A_185 = arith.constant 0 : i32
      %cond3A_186 = arith.cmpi ne, %convert_element_type3A_184, %cond3A_185 : i32
      scf.if %cond3A_186 {
        %add3A_275 = arith.constant 4 : i32
        %add3A_276 = arith.addi %add3A_146, %add3A_275 : i32
        %add3A_277 = arith.addi %mul3A_2, %add3A_276 : i32
        %dma_start3A_278 = arith.constant 1 : i32
        %dma_start3A_279 = arith.constant 0 : i32
        %dma_start3A_280 = tpu.memref_slice %arg5[%dma_start3A_278, %dma_start3A_279] : memref<4x144xi32, #tpu.memory_space<vmem>> -> memref<1x128xi32, #tpu.memory_space<vmem>>
        %dma_start3A_281 = arith.constant 0 : i32
        %dma_start3A_282 = tpu.memref_slice %arg2[%add3A_277, %dma_start3A_281] : memref<25600x128xi32, #tpu.memory_space<hbm>> -> memref<1x128xi32, #tpu.memory_space<hbm>>
        %dma_start3A_283 = arith.constant 1 : i32
        %dma_start3A_284 = arith.constant 0 : i32
        %dma_start3A_285 = tpu.memref_slice %arg5[%dma_start3A_283, %dma_start3A_284] : memref<4x144xi32, #tpu.memory_space<vmem>> -> memref<1x128xi32, #tpu.memory_space<vmem>>
        %dma_start3A_286 = arith.constant 0 : i32
        %dma_start3A_287 = tpu.memref_slice %arg2[%add3A_277, %dma_start3A_286] : memref<25600x128xi32, #tpu.memory_space<hbm>> -> memref<1x128xi32, #tpu.memory_space<hbm>>
        tpu.enqueue_dma source(%dma_start3A_287 : memref<1x128xi32, #tpu.memory_space<hbm>>) target(%dma_start3A_285 : memref<1x128xi32, #tpu.memory_space<vmem>>) target_semaphore(%arg13 : memref<!tpu.dma_semaphore, #tpu.memory_space<semaphore_mem>>)
      } else {
      }
      %mul3A_187 = arith.constant 4 : i32
      %mul3A_188 = arith.muli %scan3A_103, %mul3A_187 : i32
      %add3A_189 = arith.constant 2 : i32
      %add3A_190 = arith.addi %mul3A_188, %add3A_189 : i32
      %dma_wait3A_191 = arith.constant 2 : i32
      %dma_wait3A_192 = arith.constant 0 : i32
      %dma_wait3A_193 = tpu.memref_slice %arg5[%dma_wait3A_191, %dma_wait3A_192] : memref<4x144xi32, #tpu.memory_space<vmem>> -> memref<1x128xi32, #tpu.memory_space<vmem>>
      %dma_wait3A_194 = arith.constant 0 : i32
      %dma_wait3A_195 = arith.constant 0 : i32
      %dma_wait3A_196 = tpu.memref_slice %arg2[%dma_wait3A_194, %dma_wait3A_195] : memref<25600x128xi32, #tpu.memory_space<hbm>> -> memref<1x128xi32, #tpu.memory_space<hbm>>
      %dma_wait3A_197 = arith.constant 2 : i32
      %dma_wait3A_198 = arith.constant 0 : i32
      %dma_wait3A_199 = tpu.memref_slice %arg5[%dma_wait3A_197, %dma_wait3A_198] : memref<4x144xi32, #tpu.memory_space<vmem>> -> memref<1x128xi32, #tpu.memory_space<vmem>>
      %dma_wait3A_200 = arith.constant 0 : i32
      %dma_wait3A_201 = arith.constant 0 : i32
      %dma_wait3A_202 = tpu.memref_slice %arg2[%dma_wait3A_200, %dma_wait3A_201] : memref<25600x128xi32, #tpu.memory_space<hbm>> -> memref<1x128xi32, #tpu.memory_space<hbm>>
      tpu.wait_dma2 semaphore(%arg14 : memref<!tpu.dma_semaphore, #tpu.memory_space<semaphore_mem>>) src(%dma_wait3A_202 : memref<1x128xi32, #tpu.memory_space<hbm>>) dst(%dma_wait3A_199 : memref<1x128xi32, #tpu.memory_space<vmem>>)
      %gt3A_203 = arith.constant 0 : i32
      %gt3A_204 = arith.cmpi sgt, %scan3A_103, %gt3A_203 : i32
      %convert_element_type3A_205 = arith.extui %gt3A_204 : i1 to i32
      %cond3A_206 = arith.constant 0 : i32
      %cond3A_207 = arith.cmpi ne, %convert_element_type3A_205, %cond3A_206 : i32
      scf.if %cond3A_207 {
        %dma_wait3A_275 = arith.constant 256 : i32
        %dma_wait3A_276 = arith.constant 0 : i32
        %dma_wait3A_277 = tpu.memref_slice %arg7[%dma_wait3A_275, %dma_wait3A_276] : memref<512x128xf32, #tpu.memory_space<vmem>> -> memref<128x128xf32, #tpu.memory_space<vmem>>
        %dma_wait3A_278 = arith.constant 0 : i32
        %dma_wait3A_279 = arith.constant 0 : i32
        %dma_wait3A_280 = tpu.memref_slice %arg4[%dma_wait3A_278, %dma_wait3A_279] : memref<3276800x128xf32, #tpu.memory_space<hbm>> -> memref<128x128xf32, #tpu.memory_space<hbm>>
        %dma_wait3A_281 = arith.constant 0 : i32
        %dma_wait3A_282 = arith.constant 0 : i32
        %dma_wait3A_283 = tpu.memref_slice %arg4[%dma_wait3A_281, %dma_wait3A_282] : memref<3276800x128xf32, #tpu.memory_space<hbm>> -> memref<128x128xf32, #tpu.memory_space<hbm>>
        %dma_wait3A_284 = arith.constant 256 : i32
        %dma_wait3A_285 = arith.constant 0 : i32
        %dma_wait3A_286 = tpu.memref_slice %arg7[%dma_wait3A_284, %dma_wait3A_285] : memref<512x128xf32, #tpu.memory_space<vmem>> -> memref<128x128xf32, #tpu.memory_space<vmem>>
        tpu.wait_dma2 semaphore(%arg10 : memref<!tpu.dma_semaphore, #tpu.memory_space<semaphore_mem>>) src(%dma_wait3A_286 : memref<128x128xf32, #tpu.memory_space<vmem>>) dst(%dma_wait3A_283 : memref<128x128xf32, #tpu.memory_space<hbm>>)
      } else {
      }
      %parallel_loop3A_208 = arith.constant 0 : i32
      %parallel_loop3A_209 = arith.constant 128 : i32
      %parallel_loop3A_210 = arith.constant 1 : i32
      scf.for %parallel_loop3A_275 = %parallel_loop3A_208 to %parallel_loop3A_209 step %parallel_loop3A_210  : i32 {
        %parallel_loop3A_276 = arith.constant 2 : i32
        %parallel_loop3A_277 = arith.index_cast %parallel_loop3A_276 : i32 to index
        %parallel_loop3A_278 = arith.index_cast %parallel_loop3A_275 : i32 to index
        %parallel_loop3A_279 = tpu.vector_load %arg5[%parallel_loop3A_277, %parallel_loop3A_278] {strides = array<i32>} : memref<4x144xi32, #tpu.memory_space<vmem>>, vector<16xi32>,
        %parallel_loop3A_280 = vector.extract_strided_slice %parallel_loop3A_279 {offsets = [0], sizes = [1], strides = [1]} : vector<16xi32> to vector<1xi32>
        %parallel_loop3A_281 = vector.extract %parallel_loop3A_280[0] : i32 from vector<1xi32>
        %parallel_loop3A_282 = arith.constant 0 : i32
        %parallel_loop3A_283 = arith.maxsi %parallel_loop3A_281, %parallel_loop3A_282 : i32
        %parallel_loop3A_284 = arith.constant 9 : i32
        %parallel_loop3A_285 = arith.minsi %parallel_loop3A_283, %parallel_loop3A_284 : i32
        %parallel_loop3A_286 = arith.index_cast %parallel_loop3A_285 : i32 to index
        %parallel_loop3A_287 = arith.constant 0 : index
        %parallel_loop3A_288 = tpu.vector_load %arg6[%parallel_loop3A_286, %parallel_loop3A_287] {strides = array<i32>} : memref<10x128xf32, #tpu.memory_space<vmem>>, vector<16xf32>,
        %parallel_loop3A_289 = arith.constant 256 : i32
        %parallel_loop3A_290 = arith.addi %parallel_loop3A_289, %parallel_loop3A_275 : i32
        %parallel_loop3A_291 = arith.index_cast %parallel_loop3A_290 : i32 to index
        %parallel_loop3A_292 = arith.constant 0 : index
        %parallel_loop3A_293 = tpu.vector_load %arg7[%parallel_loop3A_291, %parallel_loop3A_292] {strides = array<i32>} : memref<512x128xf32, #tpu.memory_space<vmem>>, vector<16xf32>,
        tpu.vector_store %arg7[%parallel_loop3A_291, %parallel_loop3A_292], %parallel_loop3A_288 {strides = array<i32>} : memref<512x128xf32, #tpu.memory_space<vmem>>, vector<16xf32>,
        %parallel_loop3A_294 = arith.index_cast %parallel_loop3A_285 : i32 to index
        %parallel_loop3A_295 = arith.constant 16 : index
        %parallel_loop3A_296 = tpu.vector_load %arg6[%parallel_loop3A_294, %parallel_loop3A_295] {strides = array<i32>} : memref<10x128xf32, #tpu.memory_space<vmem>>, vector<16xf32>,
        %parallel_loop3A_297 = arith.constant 256 : i32
        %parallel_loop3A_298 = arith.addi %parallel_loop3A_297, %parallel_loop3A_275 : i32
        %parallel_loop3A_299 = arith.index_cast %parallel_loop3A_298 : i32 to index
        %parallel_loop3A_300 = arith.constant 16 : index
        %parallel_loop3A_301 = tpu.vector_load %arg7[%parallel_loop3A_299, %parallel_loop3A_300] {strides = array<i32>} : memref<512x128xf32, #tpu.memory_space<vmem>>, vector<16xf32>,
        tpu.vector_store %arg7[%parallel_loop3A_299, %parallel_loop3A_300], %parallel_loop3A_296 {strides = array<i32>} : memref<512x128xf32, #tpu.memory_space<vmem>>, vector<16xf32>,
        %parallel_loop3A_302 = arith.index_cast %parallel_loop3A_285 : i32 to index
        %parallel_loop3A_303 = arith.constant 32 : index
        %parallel_loop3A_304 = tpu.vector_load %arg6[%parallel_loop3A_302, %parallel_loop3A_303] {strides = array<i32>} : memref<10x128xf32, #tpu.memory_space<vmem>>, vector<16xf32>,
        %parallel_loop3A_305 = arith.constant 256 : i32
        %parallel_loop3A_306 = arith.addi %parallel_loop3A_305, %parallel_loop3A_275 : i32
        %parallel_loop3A_307 = arith.index_cast %parallel_loop3A_306 : i32 to index
        %parallel_loop3A_308 = arith.constant 32 : index
        %parallel_loop3A_309 = tpu.vector_load %arg7[%parallel_loop3A_307, %parallel_loop3A_308] {strides = array<i32>} : memref<512x128xf32, #tpu.memory_space<vmem>>, vector<16xf32>,
        tpu.vector_store %arg7[%parallel_loop3A_307, %parallel_loop3A_308], %parallel_loop3A_304 {strides = array<i32>} : memref<512x128xf32, #tpu.memory_space<vmem>>, vector<16xf32>,
        %parallel_loop3A_310 = arith.index_cast %parallel_loop3A_285 : i32 to index
        %parallel_loop3A_311 = arith.constant 48 : index
        %parallel_loop3A_312 = tpu.vector_load %arg6[%parallel_loop3A_310, %parallel_loop3A_311] {strides = array<i32>} : memref<10x128xf32, #tpu.memory_space<vmem>>, vector<16xf32>,
        %parallel_loop3A_313 = arith.constant 256 : i32
        %parallel_loop3A_314 = arith.addi %parallel_loop3A_313, %parallel_loop3A_275 : i32
        %parallel_loop3A_315 = arith.index_cast %parallel_loop3A_314 : i32 to index
        %parallel_loop3A_316 = arith.constant 48 : index
        %parallel_loop3A_317 = tpu.vector_load %arg7[%parallel_loop3A_315, %parallel_loop3A_316] {strides = array<i32>} : memref<512x128xf32, #tpu.memory_space<vmem>>, vector<16xf32>,
        tpu.vector_store %arg7[%parallel_loop3A_315, %parallel_loop3A_316], %parallel_loop3A_312 {strides = array<i32>} : memref<512x128xf32, #tpu.memory_space<vmem>>, vector<16xf32>,
        %parallel_loop3A_318 = arith.index_cast %parallel_loop3A_285 : i32 to index
        %parallel_loop3A_319 = arith.constant 64 : index
        %parallel_loop3A_320 = tpu.vector_load %arg6[%parallel_loop3A_318, %parallel_loop3A_319] {strides = array<i32>} : memref<10x128xf32, #tpu.memory_space<vmem>>, vector<16xf32>,
        %parallel_loop3A_321 = arith.constant 256 : i32
        %parallel_loop3A_322 = arith.addi %parallel_loop3A_321, %parallel_loop3A_275 : i32
        %parallel_loop3A_323 = arith.index_cast %parallel_loop3A_322 : i32 to index
        %parallel_loop3A_324 = arith.constant 64 : index
        %parallel_loop3A_325 = tpu.vector_load %arg7[%parallel_loop3A_323, %parallel_loop3A_324] {strides = array<i32>} : memref<512x128xf32, #tpu.memory_space<vmem>>, vector<16xf32>,
        tpu.vector_store %arg7[%parallel_loop3A_323, %parallel_loop3A_324], %parallel_loop3A_320 {strides = array<i32>} : memref<512x128xf32, #tpu.memory_space<vmem>>, vector<16xf32>,
        %parallel_loop3A_326 = arith.index_cast %parallel_loop3A_285 : i32 to index
        %parallel_loop3A_327 = arith.constant 80 : index
        %parallel_loop3A_328 = tpu.vector_load %arg6[%parallel_loop3A_326, %parallel_loop3A_327] {strides = array<i32>} : memref<10x128xf32, #tpu.memory_space<vmem>>, vector<16xf32>,
        %parallel_loop3A_329 = arith.constant 256 : i32
        %parallel_loop3A_330 = arith.addi %parallel_loop3A_329, %parallel_loop3A_275 : i32
        %parallel_loop3A_331 = arith.index_cast %parallel_loop3A_330 : i32 to index
        %parallel_loop3A_332 = arith.constant 80 : index
        %parallel_loop3A_333 = tpu.vector_load %arg7[%parallel_loop3A_331, %parallel_loop3A_332] {strides = array<i32>} : memref<512x128xf32, #tpu.memory_space<vmem>>, vector<16xf32>,
        tpu.vector_store %arg7[%parallel_loop3A_331, %parallel_loop3A_332], %parallel_loop3A_328 {strides = array<i32>} : memref<512x128xf32, #tpu.memory_space<vmem>>, vector<16xf32>,
        %parallel_loop3A_334 = arith.index_cast %parallel_loop3A_285 : i32 to index
        %parallel_loop3A_335 = arith.constant 96 : index
        %parallel_loop3A_336 = tpu.vector_load %arg6[%parallel_loop3A_334, %parallel_loop3A_335] {strides = array<i32>} : memref<10x128xf32, #tpu.memory_space<vmem>>, vector<16xf32>,
        %parallel_loop3A_337 = arith.constant 256 : i32
        %parallel_loop3A_338 = arith.addi %parallel_loop3A_337, %parallel_loop3A_275 : i32
        %parallel_loop3A_339 = arith.index_cast %parallel_loop3A_338 : i32 to index
        %parallel_loop3A_340 = arith.constant 96 : index
        %parallel_loop3A_341 = tpu.vector_load %arg7[%parallel_loop3A_339, %parallel_loop3A_340] {strides = array<i32>} : memref<512x128xf32, #tpu.memory_space<vmem>>, vector<16xf32>,
        tpu.vector_store %arg7[%parallel_loop3A_339, %parallel_loop3A_340], %parallel_loop3A_336 {strides = array<i32>} : memref<512x128xf32, #tpu.memory_space<vmem>>, vector<16xf32>,
        %parallel_loop3A_342 = arith.index_cast %parallel_loop3A_285 : i32 to index
        %parallel_loop3A_343 = arith.constant 112 : index
        %parallel_loop3A_344 = tpu.vector_load %arg6[%parallel_loop3A_342, %parallel_loop3A_343] {strides = array<i32>} : memref<10x128xf32, #tpu.memory_space<vmem>>, vector<16xf32>,
        %parallel_loop3A_345 = arith.constant 256 : i32
        %parallel_loop3A_346 = arith.addi %parallel_loop3A_345, %parallel_loop3A_275 : i32
        %parallel_loop3A_347 = arith.index_cast %parallel_loop3A_346 : i32 to index
        %parallel_loop3A_348 = arith.constant 112 : index
        %parallel_loop3A_349 = tpu.vector_load %arg7[%parallel_loop3A_347, %parallel_loop3A_348] {strides = array<i32>} : memref<512x128xf32, #tpu.memory_space<vmem>>, vector<16xf32>,
        tpu.vector_store %arg7[%parallel_loop3A_347, %parallel_loop3A_348], %parallel_loop3A_344 {strides = array<i32>} : memref<512x128xf32, #tpu.memory_space<vmem>>, vector<16xf32>,
      } {sc.loop_unroll_factor = 4 : i64, sc.parallel_access}
      %mul3A_211 = arith.constant 128 : i32
      %mul3A_212 = arith.muli %add3A_190, %mul3A_211 : i32
      %add3A_213 = arith.addi %mul3A_4, %mul3A_212 : i32
      %dma_start3A_214 = arith.constant 256 : i32
      %dma_start3A_215 = arith.constant 0 : i32
      %dma_start3A_216 = tpu.memref_slice %arg7[%dma_start3A_214, %dma_start3A_215] : memref<512x128xf32, #tpu.memory_space<vmem>> -> memref<128x128xf32, #tpu.memory_space<vmem>>
      %dma_start3A_217 = arith.constant 0 : i32
      %dma_start3A_218 = tpu.memref_slice %arg4[%add3A_213, %dma_start3A_217] : memref<3276800x128xf32, #tpu.memory_space<hbm>> -> memref<128x128xf32, #tpu.memory_space<hbm>>
      %dma_start3A_219 = arith.constant 0 : i32
      %dma_start3A_220 = tpu.memref_slice %arg4[%add3A_213, %dma_start3A_219] : memref<3276800x128xf32, #tpu.memory_space<hbm>> -> memref<128x128xf32, #tpu.memory_space<hbm>>
      %dma_start3A_221 = arith.constant 256 : i32
      %dma_start3A_222 = arith.constant 0 : i32
      %dma_start3A_223 = tpu.memref_slice %arg7[%dma_start3A_221, %dma_start3A_222] : memref<512x128xf32, #tpu.memory_space<vmem>> -> memref<128x128xf32, #tpu.memory_space<vmem>>
      tpu.enqueue_dma source(%dma_start3A_223 : memref<128x128xf32, #tpu.memory_space<vmem>>) target(%dma_start3A_220 : memref<128x128xf32, #tpu.memory_space<hbm>>) target_semaphore(%arg10 : memref<!tpu.dma_semaphore, #tpu.memory_space<semaphore_mem>>)
      %add3A_224 = arith.constant 4 : i32
      %add3A_225 = arith.addi %add3A_190, %add3A_224 : i32
      %lt3A_226 = arith.constant 800 : i32
      %lt3A_227 = arith.cmpi slt, %add3A_225, %lt3A_226 : i32
      %convert_element_type3A_228 = arith.extui %lt3A_227 : i1 to i32
      %cond3A_229 = arith.constant 0 : i32
      %cond3A_230 = arith.cmpi ne, %convert_element_type3A_228, %cond3A_229 : i32
      scf.if %cond3A_230 {
        %add3A_275 = arith.constant 4 : i32
        %add3A_276 = arith.addi %add3A_190, %add3A_275 : i32
        %add3A_277 = arith.addi %mul3A_2, %add3A_276 : i32
        %dma_start3A_278 = arith.constant 2 : i32
        %dma_start3A_279 = arith.constant 0 : i32
        %dma_start3A_280 = tpu.memref_slice %arg5[%dma_start3A_278, %dma_start3A_279] : memref<4x144xi32, #tpu.memory_space<vmem>> -> memref<1x128xi32, #tpu.memory_space<vmem>>
        %dma_start3A_281 = arith.constant 0 : i32
        %dma_start3A_282 = tpu.memref_slice %arg2[%add3A_277, %dma_start3A_281] : memref<25600x128xi32, #tpu.memory_space<hbm>> -> memref<1x128xi32, #tpu.memory_space<hbm>>
        %dma_start3A_283 = arith.constant 2 : i32
        %dma_start3A_284 = arith.constant 0 : i32
        %dma_start3A_285 = tpu.memref_slice %arg5[%dma_start3A_283, %dma_start3A_284] : memref<4x144xi32, #tpu.memory_space<vmem>> -> memref<1x128xi32, #tpu.memory_space<vmem>>
        %dma_start3A_286 = arith.constant 0 : i32
        %dma_start3A_287 = tpu.memref_slice %arg2[%add3A_277, %dma_start3A_286] : memref<25600x128xi32, #tpu.memory_space<hbm>> -> memref<1x128xi32, #tpu.memory_space<hbm>>
        tpu.enqueue_dma source(%dma_start3A_287 : memref<1x128xi32, #tpu.memory_space<hbm>>) target(%dma_start3A_285 : memref<1x128xi32, #tpu.memory_space<vmem>>) target_semaphore(%arg14 : memref<!tpu.dma_semaphore, #tpu.memory_space<semaphore_mem>>)
      } else {
      }
      %mul3A_231 = arith.constant 4 : i32
      %mul3A_232 = arith.muli %scan3A_103, %mul3A_231 : i32
      %add3A_233 = arith.constant 3 : i32
      %add3A_234 = arith.addi %mul3A_232, %add3A_233 : i32
      %dma_wait3A_235 = arith.constant 3 : i32
      %dma_wait3A_236 = arith.constant 0 : i32
      %dma_wait3A_237 = tpu.memref_slice %arg5[%dma_wait3A_235, %dma_wait3A_236] : memref<4x144xi32, #tpu.memory_space<vmem>> -> memref<1x128xi32, #tpu.memory_space<vmem>>
      %dma_wait3A_238 = arith.constant 0 : i32
      %dma_wait3A_239 = arith.constant 0 : i32
      %dma_wait3A_240 = tpu.memref_slice %arg2[%dma_wait3A_238, %dma_wait3A_239] : memref<25600x128xi32, #tpu.memory_space<hbm>> -> memref<1x128xi32, #tpu.memory_space<hbm>>
      %dma_wait3A_241 = arith.constant 3 : i32
      %dma_wait3A_242 = arith.constant 0 : i32
      %dma_wait3A_243 = tpu.memref_slice %arg5[%dma_wait3A_241, %dma_wait3A_242] : memref<4x144xi32, #tpu.memory_space<vmem>> -> memref<1x128xi32, #tpu.memory_space<vmem>>
      %dma_wait3A_244 = arith.constant 0 : i32
      %dma_wait3A_245 = arith.constant 0 : i32
      %dma_wait3A_246 = tpu.memref_slice %arg2[%dma_wait3A_244, %dma_wait3A_245] : memref<25600x128xi32, #tpu.memory_space<hbm>> -> memref<1x128xi32, #tpu.memory_space<hbm>>
      tpu.wait_dma2 semaphore(%arg15 : memref<!tpu.dma_semaphore, #tpu.memory_space<semaphore_mem>>) src(%dma_wait3A_246 : memref<1x128xi32, #tpu.memory_space<hbm>>) dst(%dma_wait3A_243 : memref<1x128xi32, #tpu.memory_space<vmem>>)
      %gt3A_247 = arith.constant 0 : i32
      %gt3A_248 = arith.cmpi sgt, %scan3A_103, %gt3A_247 : i32
      %convert_element_type3A_249 = arith.extui %gt3A_248 : i1 to i32
      %cond3A_250 = arith.constant 0 : i32
      %cond3A_251 = arith.cmpi ne, %convert_element_type3A_249, %cond3A_250 : i32
      scf.if %cond3A_251 {
        %dma_wait3A_275 = arith.constant 384 : i32
        %dma_wait3A_276 = arith.constant 0 : i32
        %dma_wait3A_277 = tpu.memref_slice %arg7[%dma_wait3A_275, %dma_wait3A_276] : memref<512x128xf32, #tpu.memory_space<vmem>> -> memref<128x128xf32, #tpu.memory_space<vmem>>
        %dma_wait3A_278 = arith.constant 0 : i32
        %dma_wait3A_279 = arith.constant 0 : i32
        %dma_wait3A_280 = tpu.memref_slice %arg4[%dma_wait3A_278, %dma_wait3A_279] : memref<3276800x128xf32, #tpu.memory_space<hbm>> -> memref<128x128xf32, #tpu.memory_space<hbm>>
        %dma_wait3A_281 = arith.constant 0 : i32
        %dma_wait3A_282 = arith.constant 0 : i32
        %dma_wait3A_283 = tpu.memref_slice %arg4[%dma_wait3A_281, %dma_wait3A_282] : memref<3276800x128xf32, #tpu.memory_space<hbm>> -> memref<128x128xf32, #tpu.memory_space<hbm>>
        %dma_wait3A_284 = arith.constant 384 : i32
        %dma_wait3A_285 = arith.constant 0 : i32
        %dma_wait3A_286 = tpu.memref_slice %arg7[%dma_wait3A_284, %dma_wait3A_285] : memref<512x128xf32, #tpu.memory_space<vmem>> -> memref<128x128xf32, #tpu.memory_space<vmem>>
        tpu.wait_dma2 semaphore(%arg11 : memref<!tpu.dma_semaphore, #tpu.memory_space<semaphore_mem>>) src(%dma_wait3A_286 : memref<128x128xf32, #tpu.memory_space<vmem>>) dst(%dma_wait3A_283 : memref<128x128xf32, #tpu.memory_space<hbm>>)
      } else {
      }
      %parallel_loop3A_252 = arith.constant 0 : i32
      %parallel_loop3A_253 = arith.constant 128 : i32
      %parallel_loop3A_254 = arith.constant 1 : i32
      scf.for %parallel_loop3A_275 = %parallel_loop3A_252 to %parallel_loop3A_253 step %parallel_loop3A_254  : i32 {
        %parallel_loop3A_276 = arith.constant 3 : i32
        %parallel_loop3A_277 = arith.index_cast %parallel_loop3A_276 : i32 to index
        %parallel_loop3A_278 = arith.index_cast %parallel_loop3A_275 : i32 to index
        %parallel_loop3A_279 = tpu.vector_load %arg5[%parallel_loop3A_277, %parallel_loop3A_278] {strides = array<i32>} : memref<4x144xi32, #tpu.memory_space<vmem>>, vector<16xi32>,
        %parallel_loop3A_280 = vector.extract_strided_slice %parallel_loop3A_279 {offsets = [0], sizes = [1], strides = [1]} : vector<16xi32> to vector<1xi32>
        %parallel_loop3A_281 = vector.extract %parallel_loop3A_280[0] : i32 from vector<1xi32>
        %parallel_loop3A_282 = arith.constant 0 : i32
        %parallel_loop3A_283 = arith.maxsi %parallel_loop3A_281, %parallel_loop3A_282 : i32
        %parallel_loop3A_284 = arith.constant 9 : i32
        %parallel_loop3A_285 = arith.minsi %parallel_loop3A_283, %parallel_loop3A_284 : i32
        %parallel_loop3A_286 = arith.index_cast %parallel_loop3A_285 : i32 to index
        %parallel_loop3A_287 = arith.constant 0 : index
        %parallel_loop3A_288 = tpu.vector_load %arg6[%parallel_loop3A_286, %parallel_loop3A_287] {strides = array<i32>} : memref<10x128xf32, #tpu.memory_space<vmem>>, vector<16xf32>,
        %parallel_loop3A_289 = arith.constant 384 : i32
        %parallel_loop3A_290 = arith.addi %parallel_loop3A_289, %parallel_loop3A_275 : i32
        %parallel_loop3A_291 = arith.index_cast %parallel_loop3A_290 : i32 to index
        %parallel_loop3A_292 = arith.constant 0 : index
        %parallel_loop3A_293 = tpu.vector_load %arg7[%parallel_loop3A_291, %parallel_loop3A_292] {strides = array<i32>} : memref<512x128xf32, #tpu.memory_space<vmem>>, vector<16xf32>,
        tpu.vector_store %arg7[%parallel_loop3A_291, %parallel_loop3A_292], %parallel_loop3A_288 {strides = array<i32>} : memref<512x128xf32, #tpu.memory_space<vmem>>, vector<16xf32>,
        %parallel_loop3A_294 = arith.index_cast %parallel_loop3A_285 : i32 to index
        %parallel_loop3A_295 = arith.constant 16 : index
        %parallel_loop3A_296 = tpu.vector_load %arg6[%parallel_loop3A_294, %parallel_loop3A_295] {strides = array<i32>} : memref<10x128xf32, #tpu.memory_space<vmem>>, vector<16xf32>,
        %parallel_loop3A_297 = arith.constant 384 : i32
        %parallel_loop3A_298 = arith.addi %parallel_loop3A_297, %parallel_loop3A_275 : i32
        %parallel_loop3A_299 = arith.index_cast %parallel_loop3A_298 : i32 to index
        %parallel_loop3A_300 = arith.constant 16 : index
        %parallel_loop3A_301 = tpu.vector_load %arg7[%parallel_loop3A_299, %parallel_loop3A_300] {strides = array<i32>} : memref<512x128xf32, #tpu.memory_space<vmem>>, vector<16xf32>,
        tpu.vector_store %arg7[%parallel_loop3A_299, %parallel_loop3A_300], %parallel_loop3A_296 {strides = array<i32>} : memref<512x128xf32, #tpu.memory_space<vmem>>, vector<16xf32>,
        %parallel_loop3A_302 = arith.index_cast %parallel_loop3A_285 : i32 to index
        %parallel_loop3A_303 = arith.constant 32 : index
        %parallel_loop3A_304 = tpu.vector_load %arg6[%parallel_loop3A_302, %parallel_loop3A_303] {strides = array<i32>} : memref<10x128xf32, #tpu.memory_space<vmem>>, vector<16xf32>,
        %parallel_loop3A_305 = arith.constant 384 : i32
        %parallel_loop3A_306 = arith.addi %parallel_loop3A_305, %parallel_loop3A_275 : i32
        %parallel_loop3A_307 = arith.index_cast %parallel_loop3A_306 : i32 to index
        %parallel_loop3A_308 = arith.constant 32 : index
        %parallel_loop3A_309 = tpu.vector_load %arg7[%parallel_loop3A_307, %parallel_loop3A_308] {strides = array<i32>} : memref<512x128xf32, #tpu.memory_space<vmem>>, vector<16xf32>,
        tpu.vector_store %arg7[%parallel_loop3A_307, %parallel_loop3A_308], %parallel_loop3A_304 {strides = array<i32>} : memref<512x128xf32, #tpu.memory_space<vmem>>, vector<16xf32>,
        %parallel_loop3A_310 = arith.index_cast %parallel_loop3A_285 : i32 to index
        %parallel_loop3A_311 = arith.constant 48 : index
        %parallel_loop3A_312 = tpu.vector_load %arg6[%parallel_loop3A_310, %parallel_loop3A_311] {strides = array<i32>} : memref<10x128xf32, #tpu.memory_space<vmem>>, vector<16xf32>,
        %parallel_loop3A_313 = arith.constant 384 : i32
        %parallel_loop3A_314 = arith.addi %parallel_loop3A_313, %parallel_loop3A_275 : i32
        %parallel_loop3A_315 = arith.index_cast %parallel_loop3A_314 : i32 to index
        %parallel_loop3A_316 = arith.constant 48 : index
        %parallel_loop3A_317 = tpu.vector_load %arg7[%parallel_loop3A_315, %parallel_loop3A_316] {strides = array<i32>} : memref<512x128xf32, #tpu.memory_space<vmem>>, vector<16xf32>,
        tpu.vector_store %arg7[%parallel_loop3A_315, %parallel_loop3A_316], %parallel_loop3A_312 {strides = array<i32>} : memref<512x128xf32, #tpu.memory_space<vmem>>, vector<16xf32>,
        %parallel_loop3A_318 = arith.index_cast %parallel_loop3A_285 : i32 to index
        %parallel_loop3A_319 = arith.constant 64 : index
        %parallel_loop3A_320 = tpu.vector_load %arg6[%parallel_loop3A_318, %parallel_loop3A_319] {strides = array<i32>} : memref<10x128xf32, #tpu.memory_space<vmem>>, vector<16xf32>,
        %parallel_loop3A_321 = arith.constant 384 : i32
        %parallel_loop3A_322 = arith.addi %parallel_loop3A_321, %parallel_loop3A_275 : i32
        %parallel_loop3A_323 = arith.index_cast %parallel_loop3A_322 : i32 to index
        %parallel_loop3A_324 = arith.constant 64 : index
        %parallel_loop3A_325 = tpu.vector_load %arg7[%parallel_loop3A_323, %parallel_loop3A_324] {strides = array<i32>} : memref<512x128xf32, #tpu.memory_space<vmem>>, vector<16xf32>,
        tpu.vector_store %arg7[%parallel_loop3A_323, %parallel_loop3A_324], %parallel_loop3A_320 {strides = array<i32>} : memref<512x128xf32, #tpu.memory_space<vmem>>, vector<16xf32>,
        %parallel_loop3A_326 = arith.index_cast %parallel_loop3A_285 : i32 to index
        %parallel_loop3A_327 = arith.constant 80 : index
        %parallel_loop3A_328 = tpu.vector_load %arg6[%parallel_loop3A_326, %parallel_loop3A_327] {strides = array<i32>} : memref<10x128xf32, #tpu.memory_space<vmem>>, vector<16xf32>,
        %parallel_loop3A_329 = arith.constant 384 : i32
        %parallel_loop3A_330 = arith.addi %parallel_loop3A_329, %parallel_loop3A_275 : i32
        %parallel_loop3A_331 = arith.index_cast %parallel_loop3A_330 : i32 to index
        %parallel_loop3A_332 = arith.constant 80 : index
        %parallel_loop3A_333 = tpu.vector_load %arg7[%parallel_loop3A_331, %parallel_loop3A_332] {strides = array<i32>} : memref<512x128xf32, #tpu.memory_space<vmem>>, vector<16xf32>,
        tpu.vector_store %arg7[%parallel_loop3A_331, %parallel_loop3A_332], %parallel_loop3A_328 {strides = array<i32>} : memref<512x128xf32, #tpu.memory_space<vmem>>, vector<16xf32>,
        %parallel_loop3A_334 = arith.index_cast %parallel_loop3A_285 : i32 to index
        %parallel_loop3A_335 = arith.constant 96 : index
        %parallel_loop3A_336 = tpu.vector_load %arg6[%parallel_loop3A_334, %parallel_loop3A_335] {strides = array<i32>} : memref<10x128xf32, #tpu.memory_space<vmem>>, vector<16xf32>,
        %parallel_loop3A_337 = arith.constant 384 : i32
        %parallel_loop3A_338 = arith.addi %parallel_loop3A_337, %parallel_loop3A_275 : i32
        %parallel_loop3A_339 = arith.index_cast %parallel_loop3A_338 : i32 to index
        %parallel_loop3A_340 = arith.constant 96 : index
        %parallel_loop3A_341 = tpu.vector_load %arg7[%parallel_loop3A_339, %parallel_loop3A_340] {strides = array<i32>} : memref<512x128xf32, #tpu.memory_space<vmem>>, vector<16xf32>,
        tpu.vector_store %arg7[%parallel_loop3A_339, %parallel_loop3A_340], %parallel_loop3A_336 {strides = array<i32>} : memref<512x128xf32, #tpu.memory_space<vmem>>, vector<16xf32>,
        %parallel_loop3A_342 = arith.index_cast %parallel_loop3A_285 : i32 to index
        %parallel_loop3A_343 = arith.constant 112 : index
        %parallel_loop3A_344 = tpu.vector_load %arg6[%parallel_loop3A_342, %parallel_loop3A_343] {strides = array<i32>} : memref<10x128xf32, #tpu.memory_space<vmem>>, vector<16xf32>,
        %parallel_loop3A_345 = arith.constant 384 : i32
        %parallel_loop3A_346 = arith.addi %parallel_loop3A_345, %parallel_loop3A_275 : i32
        %parallel_loop3A_347 = arith.index_cast %parallel_loop3A_346 : i32 to index
        %parallel_loop3A_348 = arith.constant 112 : index
        %parallel_loop3A_349 = tpu.vector_load %arg7[%parallel_loop3A_347, %parallel_loop3A_348] {strides = array<i32>} : memref<512x128xf32, #tpu.memory_space<vmem>>, vector<16xf32>,
        tpu.vector_store %arg7[%parallel_loop3A_347, %parallel_loop3A_348], %parallel_loop3A_344 {strides = array<i32>} : memref<512x128xf32, #tpu.memory_space<vmem>>, vector<16xf32>,
      } {sc.loop_unroll_factor = 4 : i64, sc.parallel_access}
      %mul3A_255 = arith.constant 128 : i32
      %mul3A_256 = arith.muli %add3A_234, %mul3A_255 : i32
      %add3A_257 = arith.addi %mul3A_4, %mul3A_256 : i32
      %dma_start3A_258 = arith.constant 384 : i32
      %dma_start3A_259 = arith.constant 0 : i32
      %dma_start3A_260 = tpu.memref_slice %arg7[%dma_start3A_258, %dma_start3A_259] : memref<512x128xf32, #tpu.memory_space<vmem>> -> memref<128x128xf32, #tpu.memory_space<vmem>>
      %dma_start3A_261 = arith.constant 0 : i32
      %dma_start3A_262 = tpu.memref_slice %arg4[%add3A_257, %dma_start3A_261] : memref<3276800x128xf32, #tpu.memory_space<hbm>> -> memref<128x128xf32, #tpu.memory_space<hbm>>
      %dma_start3A_263 = arith.constant 0 : i32
      %dma_start3A_264 = tpu.memref_slice %arg4[%add3A_257, %dma_start3A_263] : memref<3276800x128xf32, #tpu.memory_space<hbm>> -> memref<128x128xf32, #tpu.memory_space<hbm>>
      %dma_start3A_265 = arith.constant 384 : i32
      %dma_start3A_266 = arith.constant 0 : i32
      %dma_start3A_267 = tpu.memref_slice %arg7[%dma_start3A_265, %dma_start3A_266] : memref<512x128xf32, #tpu.memory_space<vmem>> -> memref<128x128xf32, #tpu.memory_space<vmem>>
      tpu.enqueue_dma source(%dma_start3A_267 : memref<128x128xf32, #tpu.memory_space<vmem>>) target(%dma_start3A_264 : memref<128x128xf32, #tpu.memory_space<hbm>>) target_semaphore(%arg11 : memref<!tpu.dma_semaphore, #tpu.memory_space<semaphore_mem>>)
      %add3A_268 = arith.constant 4 : i32
      %add3A_269 = arith.addi %add3A_234, %add3A_268 : i32
      %lt3A_270 = arith.constant 800 : i32
      %lt3A_271 = arith.cmpi slt, %add3A_269, %lt3A_270 : i32
      %convert_element_type3A_272 = arith.extui %lt3A_271 : i1 to i32
      %cond3A_273 = arith.constant 0 : i32
      %cond3A_274 = arith.cmpi ne, %convert_element_type3A_272, %cond3A_273 : i32
      scf.if %cond3A_274 {
        %add3A_275 = arith.constant 4 : i32
        %add3A_276 = arith.addi %add3A_234, %add3A_275 : i32
        %add3A_277 = arith.addi %mul3A_2, %add3A_276 : i32
        %dma_start3A_278 = arith.constant 3 : i32
        %dma_start3A_279 = arith.constant 0 : i32
        %dma_start3A_280 = tpu.memref_slice %arg5[%dma_start3A_278, %dma_start3A_279] : memref<4x144xi32, #tpu.memory_space<vmem>> -> memref<1x128xi32, #tpu.memory_space<vmem>>
        %dma_start3A_281 = arith.constant 0 : i32
        %dma_start3A_282 = tpu.memref_slice %arg2[%add3A_277, %dma_start3A_281] : memref<25600x128xi32, #tpu.memory_space<hbm>> -> memref<1x128xi32, #tpu.memory_space<hbm>>
        %dma_start3A_283 = arith.constant 3 : i32
        %dma_start3A_284 = arith.constant 0 : i32
        %dma_start3A_285 = tpu.memref_slice %arg5[%dma_start3A_283, %dma_start3A_284] : memref<4x144xi32, #tpu.memory_space<vmem>> -> memref<1x128xi32, #tpu.memory_space<vmem>>
        %dma_start3A_286 = arith.constant 0 : i32
        %dma_start3A_287 = tpu.memref_slice %arg2[%add3A_277, %dma_start3A_286] : memref<25600x128xi32, #tpu.memory_space<hbm>> -> memref<1x128xi32, #tpu.memory_space<hbm>>
        tpu.enqueue_dma source(%dma_start3A_287 : memref<1x128xi32, #tpu.memory_space<hbm>>) target(%dma_start3A_285 : memref<1x128xi32, #tpu.memory_space<vmem>>) target_semaphore(%arg15 : memref<!tpu.dma_semaphore, #tpu.memory_space<semaphore_mem>>)
      } else {
      }
    }
    %scan3A_55 = arith.constant 200 : i32
    %dma_wait3A = arith.constant 0 : i32
    %dma_wait3A_56 = arith.constant 0 : i32
    %dma_wait3A_57 = tpu.memref_slice %arg7[%dma_wait3A, %dma_wait3A_56] : memref<512x128xf32, #tpu.memory_space<vmem>> -> memref<128x128xf32, #tpu.memory_space<vmem>>
    %dma_wait3A_58 = arith.constant 0 : i32
    %dma_wait3A_59 = arith.constant 0 : i32
    %dma_wait3A_60 = tpu.memref_slice %arg4[%dma_wait3A_58, %dma_wait3A_59] : memref<3276800x128xf32, #tpu.memory_space<hbm>> -> memref<128x128xf32, #tpu.memory_space<hbm>>
    %dma_wait3A_61 = arith.constant 0 : i32
    %dma_wait3A_62 = arith.constant 0 : i32
    %dma_wait3A_63 = tpu.memref_slice %arg4[%dma_wait3A_61, %dma_wait3A_62] : memref<3276800x128xf32, #tpu.memory_space<hbm>> -> memref<128x128xf32, #tpu.memory_space<hbm>>
    %dma_wait3A_64 = arith.constant 0 : i32
    %dma_wait3A_65 = arith.constant 0 : i32
    %dma_wait3A_66 = tpu.memref_slice %arg7[%dma_wait3A_64, %dma_wait3A_65] : memref<512x128xf32, #tpu.memory_space<vmem>> -> memref<128x128xf32, #tpu.memory_space<vmem>>
    tpu.wait_dma2 semaphore(%arg8 : memref<!tpu.dma_semaphore, #tpu.memory_space<semaphore_mem>>) src(%dma_wait3A_66 : memref<128x128xf32, #tpu.memory_space<vmem>>) dst(%dma_wait3A_63 : memref<128x128xf32, #tpu.memory_space<hbm>>)
    %dma_wait3A_67 = arith.constant 128 : i32
    %dma_wait3A_68 = arith.constant 0 : i32
    %dma_wait3A_69 = tpu.memref_slice %arg7[%dma_wait3A_67, %dma_wait3A_68] : memref<512x128xf32, #tpu.memory_space<vmem>> -> memref<128x128xf32, #tpu.memory_space<vmem>>
    %dma_wait3A_70 = arith.constant 0 : i32
    %dma_wait3A_71 = arith.constant 0 : i32
    %dma_wait3A_72 = tpu.memref_slice %arg4[%dma_wait3A_70, %dma_wait3A_71] : memref<3276800x128xf32, #tpu.memory_space<hbm>> -> memref<128x128xf32, #tpu.memory_space<hbm>>
    %dma_wait3A_73 = arith.constant 0 : i32
    %dma_wait3A_74 = arith.constant 0 : i32
    %dma_wait3A_75 = tpu.memref_slice %arg4[%dma_wait3A_73, %dma_wait3A_74] : memref<3276800x128xf32, #tpu.memory_space<hbm>> -> memref<128x128xf32, #tpu.memory_space<hbm>>
    %dma_wait3A_76 = arith.constant 128 : i32
    %dma_wait3A_77 = arith.constant 0 : i32
    %dma_wait3A_78 = tpu.memref_slice %arg7[%dma_wait3A_76, %dma_wait3A_77] : memref<512x128xf32, #tpu.memory_space<vmem>> -> memref<128x128xf32, #tpu.memory_space<vmem>>
    tpu.wait_dma2 semaphore(%arg9 : memref<!tpu.dma_semaphore, #tpu.memory_space<semaphore_mem>>) src(%dma_wait3A_78 : memref<128x128xf32, #tpu.memory_space<vmem>>) dst(%dma_wait3A_75 : memref<128x128xf32, #tpu.memory_space<hbm>>)
    %dma_wait3A_79 = arith.constant 256 : i32
    %dma_wait3A_80 = arith.constant 0 : i32
    %dma_wait3A_81 = tpu.memref_slice %arg7[%dma_wait3A_79, %dma_wait3A_80] : memref<512x128xf32, #tpu.memory_space<vmem>> -> memref<128x128xf32, #tpu.memory_space<vmem>>
    %dma_wait3A_82 = arith.constant 0 : i32
    %dma_wait3A_83 = arith.constant 0 : i32
    %dma_wait3A_84 = tpu.memref_slice %arg4[%dma_wait3A_82, %dma_wait3A_83] : memref<3276800x128xf32, #tpu.memory_space<hbm>> -> memref<128x128xf32, #tpu.memory_space<hbm>>
    %dma_wait3A_85 = arith.constant 0 : i32
    %dma_wait3A_86 = arith.constant 0 : i32
    %dma_wait3A_87 = tpu.memref_slice %arg4[%dma_wait3A_85, %dma_wait3A_86] : memref<3276800x128xf32, #tpu.memory_space<hbm>> -> memref<128x128xf32, #tpu.memory_space<hbm>>
    %dma_wait3A_88 = arith.constant 256 : i32
    %dma_wait3A_89 = arith.constant 0 : i32
    %dma_wait3A_90 = tpu.memref_slice %arg7[%dma_wait3A_88, %dma_wait3A_89] : memref<512x128xf32, #tpu.memory_space<vmem>> -> memref<128x128xf32, #tpu.memory_space<vmem>>
    tpu.wait_dma2 semaphore(%arg10 : memref<!tpu.dma_semaphore, #tpu.memory_space<semaphore_mem>>) src(%dma_wait3A_90 : memref<128x128xf32, #tpu.memory_space<vmem>>) dst(%dma_wait3A_87 : memref<128x128xf32, #tpu.memory_space<hbm>>)
    %dma_wait3A_91 = arith.constant 384 : i32
    %dma_wait3A_92 = arith.constant 0 : i32
    %dma_wait3A_93 = tpu.memref_slice %arg7[%dma_wait3A_91, %dma_wait3A_92] : memref<512x128xf32, #tpu.memory_space<vmem>> -> memref<128x128xf32, #tpu.memory_space<vmem>>
    %dma_wait3A_94 = arith.constant 0 : i32
    %dma_wait3A_95 = arith.constant 0 : i32
    %dma_wait3A_96 = tpu.memref_slice %arg4[%dma_wait3A_94, %dma_wait3A_95] : memref<3276800x128xf32, #tpu.memory_space<hbm>> -> memref<128x128xf32, #tpu.memory_space<hbm>>
    %dma_wait3A_97 = arith.constant 0 : i32
    %dma_wait3A_98 = arith.constant 0 : i32
    %dma_wait3A_99 = tpu.memref_slice %arg4[%dma_wait3A_97, %dma_wait3A_98] : memref<3276800x128xf32, #tpu.memory_space<hbm>> -> memref<128x128xf32, #tpu.memory_space<hbm>>
    %dma_wait3A_100 = arith.constant 384 : i32
    %dma_wait3A_101 = arith.constant 0 : i32
    %dma_wait3A_102 = tpu.memref_slice %arg7[%dma_wait3A_100, %dma_wait3A_101] : memref<512x128xf32, #tpu.memory_space<vmem>> -> memref<128x128xf32, #tpu.memory_space<vmem>>
    tpu.wait_dma2 semaphore(%arg11 : memref<!tpu.dma_semaphore, #tpu.memory_space<semaphore_mem>>) src(%dma_wait3A_102 : memref<128x128xf32, #tpu.memory_space<vmem>>) dst(%dma_wait3A_99 : memref<128x128xf32, #tpu.memory_space<hbm>>)
    return
  }
}

</mosaic_0001>

<sc_bundles>
// kernel: _emb.3.cloned.1.call-start
scs
__scs_entry_jumppad:
0x0: {  	(pc) =	sbr.rel $0x88, $3  }
0x1: {  	(tag) =	ssettag $0x0;
	lr =	simm.s32 $0x1  }
0x2: {  	[smem:$0x3F9F] =	sst lr;
	_ =	strace $0xD0000000  }
0x3: {  	_ = 	snop  }
0x4: {  	_ = 	snop  }
0x5: {  	_ = 	snop  }
0x6: {  	_ = 	snop  }
0x7: {  	_ = 	snop  }
__scs_overlays_trampoline_lowered:
0x8: {  	[smem:$0x3FAE] =	sst s0  }
0x9: {  	[smem:$0x3FAF] =	sst s1  }
0xa: {  	[smem:$0x3FB0] =	sst s2  }
0xb: {  	[smem:$0x3FB1] =	sst s3  }
0xc: {  	[smem:$0x3FB2] =	sst s4  }
0xd: {  	[smem:$0x3FB3] =	sst s5  }
0xe: {  	[smem:$0x3FB4] =	sst s6  }
0xf: {  	[smem:$0x3FB5] =	sst s7  }
0x10: {  	[smem:$0x3FB6] =	sst s8  }
0x11: {  	[smem:$0x3FB7] =	sst s9;
	s0 =	simm.s32 @!p0 $0x0  }
0x12: {  	s1 =	sld [smem:$0x3F9D];
	s0 =	simm.s32 @p0 $0x1  }
0x13: {  	[smem:$0x3FB8] =	sst s0;
	s0 =	simm.s32 @!p1 $0x0  }
0x14: {  	s2 =	sld [smem:$0x3F9C];
	s0 =	simm.s32 @p1 $0x1  }
0x15: {  	[smem:$0x3FB9] =	sst s0;
	s0 =	simm.s32 @!p2 $0x0  }
0x16: {  	s3 =	sld [smem:$0x3FDB];
	s0 =	simm.s32 @p2 $0x1  }
0x17: {  	s4 =	simm.s32 $0x1BF5;
	[smem:$0x3FBB] =	sst s0  }
0x18: {  	s0 =	sld [smem:$0x3F9E];
	_ =	swait.ge [sflag:s4], $0x0  }
0x19: {  	s7 =	sld [smem:$0x3F9F]  }
0x1a: {  	s8 =	sadd.s32 $0xFFFFE003, lr  }
0x1b: {  	s9 =	sadd.s32 $0xFFFFFEF7, lr;
	s5 =	simm.s32 $0xFFFFFFFF;
	p2 =	slt.u32 s8, $0xFFFFF086  }
0x1c: {  	p1 =	slt.u32 s9, $0xF7A;
	s5 =	simm.s32 @!p2 $0x0  }
0x1d: {  	s5 =	simm.s32 @p1 $0x1;
	p0 =	seq.s32 s7, s2  }
0x1e: {  	s7 =	smul.u32 @!p0 $0xF7A, s2;
	p2 =	seq.s32 @!p0 s5, $0x0  }
0x1f: {  	s9 =	smul.u32 $0xF7A, s1;
	s8 =	simm.s32 @!p0 $0x1BF5;
	p2 =	por !p2, p0  }
0x20: {  	[sflag:s8] =	ssyncset.s32 @!p0 $0xFFFFF086;
	s6 =	sadd.s32 @!p0 s3, s7;
	s7 =	simm.s32 @!p0 $0x108  }
0x21: {  	s3 =	sadd.s32 s3, s9;
	s6 =	sadd.s32 @!p0 $0x88, s6;
	s7 =	simm.s32 @p2 $0x1082  }
0x22: {  	[simem:s7], [sflag:s8] =	dma.local @!p0 [hbm:s6], $0xF7A  }
0x23: {  	s9 =	sor.u32 $0xD0000000, s2;
	s6 =	simm.s32 $0x108;
	_ =	swait.ge @!p0 [sflag:s8], $0x0  }
0x24: {  	s3 =	sadd.s32 $0x88, s3;
	s6 =	simm.s32 @!p1 $0x1082;
	[sflag:s4] =	ssyncset.s32 $0xFFFFF086  }
0x25: {  	[simem:s6], [sflag:s4] =	dma.local [hbm:s3], $0xF7A  }
0x26: {  	[smem:$0x3F9F] =	sst s1;
	(tag) =	ssettag s2;
	_ =	strace s9  }
0x27: {  	s1 =	sld [smem:$0x3FAF]  }
0x28: {  	s2 =	sld [smem:$0x3FB0]  }
0x29: {  	s4 =	sld [smem:$0x3FB2]  }
0x2a: {  	p0 =	seq.s32 s5, $0x0;
	s5 =	sld [smem:$0x3FB3]  }
0x2b: {  	s6 =	sld [smem:$0x3FB4]  }
0x2c: {  	s7 =	sld [smem:$0x3FB5]  }
0x2d: {  	s3 =	simm.s32 $0x108;
	s8 =	sld [smem:$0x3FB6]  }
0x2e: {  	s3 =	simm.s32 @!p0 $0x1082;
	s9 =	sld [smem:$0x3FB7]  }
0x2f: {  	lr =	sadd.s32 s0, s3;
	s0 =	sld [smem:$0x3FAE]  }
0x30: {  	s3 =	sld [smem:$0x3FB1]  }
0x31: {  	[smem:$0x3FBA] =	sst s10  }
0x32: {  	s10 =	sld [smem:$0x3FB8];
	_ =	sdelay $0x3  }
0x33: {  	p0 =	seq.s32 s10, $0x1;
	s10 =	sld [smem:$0x3FBA];
	_ =	sdelay $0x3  }
0x34: {  	[smem:$0x3FBA] =	sst s10  }
0x35: {  	s10 =	sld [smem:$0x3FB9];
	_ =	sdelay $0x3  }
0x36: {  	p1 =	seq.s32 s10, $0x1;
	s10 =	sld [smem:$0x3FBA];
	_ =	sdelay $0x3  }
0x37: {  	[smem:$0x3FBA] =	sst s10  }
0x38: {  	s10 =	sld [smem:$0x3FBB]  }
0x39: {  	_ = 	snop;
	(pc) =	sbr.ind lr, $3  }
0x3a: {  	_ = 	snop  }
0x3b: {  	_ = 	snop  }
0x3c: {  	p2 =	seq.s32 s10, $0x1;
	s10 =	sld [smem:$0x3FBA]  }
0x3d: {  	_ =	shalt  }
0x3e: {  	_ =	shalt  }
0x3f: {  	_ =	shalt  }
0x40: {  	_ =	shalt  }
0x41: {  	_ =	shalt  }
0x42: {  	_ =	shalt  }
0x43: {  	_ =	shalt  }
0x44: {  	_ =	shalt  }
0x45: {  	_ =	shalt  }
0x46: {  	_ =	shalt  }
0x47: {  	_ =	shalt  }
0x48: {  	_ =	shalt  }
0x49: {  	_ =	shalt  }
0x4a: {  	_ =	shalt  }
0x4b: {  	_ =	shalt  }
0x4c: {  	_ =	shalt  }
0x4d: {  	_ =	shalt  }
0x4e: {  	_ =	shalt  }
0x4f: {  	_ =	shalt  }
0x50: {  	_ =	shalt  }
0x51: {  	_ =	shalt  }
0x52: {  	_ =	shalt  }
0x53: {  	_ =	shalt  }
0x54: {  	_ =	shalt  }
0x55: {  	_ =	shalt  }
0x56: {  	_ =	shalt  }
0x57: {  	_ =	shalt  }
0x58: {  	_ =	shalt  }
0x59: {  	_ =	shalt  }
0x5a: {  	_ =	shalt  }
0x5b: {  	_ =	shalt  }
0x5c: {  	_ =	shalt  }
0x5d: {  	_ =	shalt  }
0x5e: {  	_ =	shalt  }
0x5f: {  	_ =	shalt  }
0x60: {  	_ =	shalt  }
0x61: {  	_ =	shalt  }
0x62: {  	_ =	shalt  }
0x63: {  	_ =	shalt  }
0x64: {  	_ =	shalt  }
0x65: {  	_ =	shalt  }
0x66: {  	_ =	shalt  }
0x67: {  	_ =	shalt  }
0x68: {  	_ =	shalt  }
0x69: {  	_ =	shalt  }
0x6a: {  	_ =	shalt  }
0x6b: {  	_ =	shalt  }
0x6c: {  	_ =	shalt  }
0x6d: {  	_ =	shalt  }
0x6e: {  	_ =	shalt  }
0x6f: {  	_ =	shalt  }
0x70: {  	_ =	shalt  }
0x71: {  	_ =	shalt  }
0x72: {  	_ =	shalt  }
0x73: {  	_ =	shalt  }
0x74: {  	_ =	shalt  }
0x75: {  	_ =	shalt  }
0x76: {  	_ =	shalt  }
0x77: {  	_ =	shalt  }
0x78: {  	_ =	shalt  }
0x79: {  	_ =	shalt  }
0x7a: {  	_ =	shalt  }
0x7b: {  	_ =	shalt  }
0x7c: {  	_ =	shalt  }
0x7d: {  	_ =	shalt  }
0x7e: {  	_ =	shalt  }
0x7f: {  	_ =	shalt  }
0x80: {  	_ =	shalt  }
0x81: {  	_ =	shalt  }
0x82: {  	_ =	shalt  }
0x83: {  	_ =	shalt  }
0x84: {  	_ =	shalt  }
0x85: {  	_ =	shalt  }
0x86: {  	_ =	shalt  }
0x87: {  	_ =	shalt  }
.Lfunc_end0:
.L_simem_size_0:
called_computation_lowered:
.L_overlay_start_0:
0x88: {  	s2 =	sld [smem:$0x3FD9]  }
0x89: {  	s3 =	sld [smem:$0x3FFE];
	_ =	sdelay $0x1  }
0x8a: {  	s1 =	srdreg.scid  }
0x8b: {  	s0 =	sand.u32 $0x1, s1  }
0x8c: {  	s18 =	sshll.u32 s0, $0xA;
	s2 =	sadd.s32 s3, s2  }
0x8d: {  	s2 =	sadd.s32 s2, s18  }
0x8e: {  	[smem:$0x3FC6] =	sst s2  }
0x8f: {  	_ = 	snop  }
0x90: {  	s2 =	sld [smem:$0x3FC9]  }
0x91: {  	s19 =	sld [smem:$0x3FC8]  }
0x92: {  	s4 =	sld [smem:$0x3FD0];
	(tm) =	ssettm $0x1  }
0x93: {  	s5 =	sld [smem:$0x3FFB];
	_ =	sdelay $0x3  }
0x94: {  	_ =	strace s5  }
0x95: {  	s5 =	sld [smem:$0x3FFC];
	_ =	sdelay $0x3  }
0x96: {  	_ =	strace s5  }
0x97: {  	s5 =	sld [smem:$0x3FFD];
	_ =	sdelay $0x3  }
0x98: {  	_ =	strace s5  }
0x99: {  	_ =	strace $0x8FFFFFFF  }
0x9a: {  	s20 =	sld [smem:$0x3FDB];
	_ =	sdelay $0x1  }
0x9b: {  	s6 =	simm.s32 $_scs_section_size  }
0x9c: {  	s7 =	simm.s32 $_size__tile_overlayer_lowered;
	s8 =	simm.s32 $_tile_overlayer_lowered  }
0x9d: {  	s23 =	simm.s32 $0x1BFF;
	s22 =	sshll.u32 s8, $0x1;
	s5 =	sadd.s32 s6, s20  }
0x9e: {  	s9 =	simm.s32 $0x0;
	s21 =	sshll.u32 s7, $0x1;
	s7 =	sadd.s32 s22, s5  }
0x9f: {  	[timem:s9], [sflag:s23] =	dma.local [hbm:s7], s21  }
0xa0: {  	_ =	swait.ge [sflag:s23], s21  }
0xa1: {  	s6 =	ssub.s32 $0x0, s21;
	[sflag:s23] =	ssyncset.done $0x0  }
0xa2: {  	[sflag:s23] =	ssyncadd.s32 s6;
	_ =	sdelay $0x1  }
0xa3: {  	s24 =	simm.s32 $0x1B8B  }
0xa4: {  	_ =	swait.ge [sflag:s24], $0x1  }
0xa5: {  	[sflag:s24] =	ssyncset.done $0x0  }
0xa6: {  	s25 =	simm.s32 $0x1B8E;
	[sflag:s24] =	ssyncadd.s32 $0xFFFFFFFF  }
0xa7: {  	s26 =	simm.s32 $execute0_lowered;
	[smem:$0x3FD2] =	sst s25  }
0xa8: {  	s6 =	sshll.u32 s26, $0x1;
	_ =	strace $0x80000046;
	[dreg:$0x1] =	wrdreg $0xFFFFFFFF  }
0xa9: {  	s28 =	simm.s32 $_size_execute0_lowered;
	s5 =	sadd.s32 s5, s6;
	[dreg:$0x0] =	wrdreg $0x0  }
0xaa: {  	s6 =	sshll.u32 s28, $0x1;
	[dreg:$0x2] =	wrdreg s5  }
0xab: {  	[dreg:$0x3] =	wrdreg s6  }
0xac: {  	[dreg:$0x4] =	wrdreg $0xC0  }
0xad: {  	_ =	task [dreg:s9], $0x5FFFF  }
0xae: {  	[dreg:$0x1] =	wrdreg $0xFFFFFFFF  }
0xaf: {  	[dreg:$0x0] =	wrdreg $0x60  }
0xb0: {  	[dreg:$0x2] =	wrdreg s2  }
0xb1: {  	[dreg:$0x3] =	wrdreg s19  }
0xb2: {  	[dreg:$0x4] =	wrdreg s4  }
0xb3: {  	[dreg:$0x5] =	wrdreg $0x9  }
0xb4: {  	_ =	task.clear_ibuf [dreg:s9], $0x6FFFF;
	_ =	strace $0x90000046  }
0xb5: {  	s29 =	simm.s32 $0x9;
	_ =	strace $0x80000048  }
0xb6: {  	_ =	swait.ge [sflag:s29], $0x1  }
0xb7: {  	[sflag:s29] =	ssyncadd.s32 $0xFFFFFFFF  }
0xb8: {  	_ =	strace $0x90000048  }
0xb9: {  	_ =	sfence  }
0xba: {  	s30 =	sld [smem:$0x0];
	_ =	sdelay $0x2  }
0xbb: {  	s31 =	sshll.u32 s1, $0xD;
	s1 =	sshrl.u32 s1, $0x2  }
0xbc: {  	s3 =	sand.u32 $0x4000, s31;
	s1 =	sadd.s32 s1, s30  }
0xbd: {  	s0 =	sor.u32 s3, s0;
	s1 =	sshll.u32 s1, $0x11  }
0xbe: {  	s0 =	sor.u32 s1, s0  }
0xbf: {  	s0 =	sadd.s32 $0x8F2B, s0  }
0xc0: {  	[sflag:s0] =	ssyncadd.remote.s32 $0x1  }
0xc1: {  	_ =	sfence.sel $0xFFFF  }
0xc2: {  	[dreg:$0x0] =	wrdreg $0xFFFFFFFF;
	(pc) =	sbr.abs _section_cstart, $3  }
0xc3: {  	[dreg:$0x1] =	wrdreg $0xFFFFFFFF  }
0xc4: {  	_ =	task.clear_ibuf [dreg:s9], $0x2FFFF;
	_ =	strace $0x9FFFFFFF  }
0xc5: {  	(tm) =	ssettm $0x7FFFFFFF  }
tec
execute0_lowered:
.L_overlay_start_1:
0x0: {  	(tag) =	ssettag $0x1  }
0x1: {  	s1 =	rddreg [dreg:$0x0]  }
0x2: {  	s0 =	srdreg.scid;
	s2 =	stileid.u32  }
0x3: {  	s4 =	rddreg [dreg:$0x2];
	s5 =	simm.s32 $0x0;
	s21 =	simm.s32 $0x5  }
0x4: {  	s23 =	simm.s32 $0x6;
	s0 =	sand.u32 $0x1, s0;
	s2 =	sshll.u32 s2, $0x1  }
0x5: {  	s24 =	simm.s32 $0x2;
	s28 =	simm.s32 $0x3;
	s2 =	sor.u32 s0, s2  }
0x6: {  	s30 =	simm.s32 $0x8;
	s31 =	simm.s32 $0x4;
	s3 =	smul.u32 $0x3200, s2  }
0x7: {  	[smem:$0x7FF] =	sst s5;
	s0 =	ssub.s32 $0x2, s0;
	s26 =	smul.u32 $0x19000, s2  }
0x8: {  	_ =	strace $0x80000047;
	s6 =	sshrl.u32 s0, $0x1;
	s7 =	smul.u32 $0x320, s2  }
0x9: {  	s11 =	smul.u32 $0xC80000, s2;
	s0 =	ssub.s32 s0, s6;
	s3 =	sadd.s32 s1, s3  }
.Ltmp0:
0xa: {  	s0 =	smax.u32 s0, $0x1;
	[dreg:$0x4] =	wrdreg s3;
	(pc) =	sbr.rel .LBB2_1-.Ltmp0, $4  }
0xb: {  	s2 =	simm.s32 $0x0;
	s8 =	sadd.s32 $0x10, s3;
	[dreg:$0x8] =	wrdreg s0  }
0xc: {  	s12 =	sor.u32 $0x80, s26;
	s29 =	sadd.s32 $0x20, s3;
	[dreg:$0x5] =	wrdreg s8  }
0xd: {  	s13 =	sor.u32 $0x100, s26;
	s3 =	sadd.s32 $0x30, s3;
	[dreg:$0x6] =	wrdreg s29  }
0xe: {  	s14 =	sor.u32 $0x180, s26;
	s26 =	simm.s32 $0x7;
	[dreg:$0x7] =	wrdreg s3  }
.LBB2_24:
0xf: {  	s0 =	simm.s32 $0x1  }
0x10: {  	_ =	swait.ge [sflag:s0], $0x4000  }
0x11: {  	[sflag:s0] =	ssyncset.done $0x0  }
0x12: {  	[sflag:s0] =	ssyncadd.s32 $0xFFFFC000  }
0x13: {  	_ =	swait.ge [sflag:s24], $0x4000  }
0x14: {  	[sflag:s24] =	ssyncset.done $0x0  }
0x15: {  	[sflag:s24] =	ssyncadd.s32 $0xFFFFC000  }
0x16: {  	_ =	swait.ge [sflag:s28], $0x4000  }
0x17: {  	[sflag:s28] =	ssyncset.done $0x0  }
0x18: {  	[sflag:s28] =	ssyncadd.s32 $0xFFFFC000  }
0x19: {  	_ =	swait.ge [sflag:s31], $0x4000  }
0x1a: {  	s2 =	rddreg [dreg:$0x9]  }
0x1b: {  	s29 =	rddreg [dreg:$0x8];
	s2 =	sadd.s32 $0x1, s2  }
0x1c: {  	p0 =	sne.s32 s2, s29  }
.Ltmp1:
0x1d: {  	_ = 	snop;
	(pc) =	sbr.rel @!p0 .LBB2_25-.Ltmp1, $3  }
0x1e: {  	_ =	sdelay $0x1  }
0x1f: {  	[sflag:s31] =	ssyncset.done $0x0  }
0x20: {  	[sflag:s31] =	ssyncadd.s32 $0xFFFFC000  }
.LBB2_1:
0x21: {  	[dreg:$0x9] =	wrdreg s2  }
0x22: {  	s0 =	rddreg [dreg:$0x1];
	s15 =	simm.s32 $0x400;
	s16 =	simm.s32 $0x9  }
0x23: {  	[tilespmem:s15], [sflag:$0x9] =	stream.linear.gather [hbm4b:s0+s5], $0x500, $0x38;
	[tilespmem:$0x10C00] =	vst v63  }
0x24: {  	_ =	swait.ge [sflag:s16], $0x500  }
0x25: {  	[sflag:s16] =	ssyncset.done $0x0  }
0x26: {  	s17 =	rddreg [dreg:$0x4];
	[sflag:s16] =	ssyncadd.s32 $0xFFFFFB00  }
0x27: {  	[tilespmem:s5], [sflag:$0x5] =	stream.linear.gather [hbm4b:s17+s5], $0x80, $0x38;
	[tilespmem:$0x10C00] =	vst v63  }
0x28: {  	s19 =	simm.s32 $0x80;
	s18 =	rddreg [dreg:$0x5]  }
0x29: {  	[tilespmem:s19], [sflag:$0x6] =	stream.linear.gather [hbm4b:s18+s5], $0x80, $0x38;
	[tilespmem:$0x10C00] =	vst v63  }
0x2a: {  	s22 =	simm.s32 $0x100;
	s20 =	rddreg [dreg:$0x6]  }
0x2b: {  	[tilespmem:s22], [sflag:$0x7] =	stream.linear.gather [hbm4b:s20+s5], $0x80, $0x38;
	[tilespmem:$0x10C00] =	vst v63  }
0x2c: {  	s29 =	simm.s32 $0x180;
	s25 =	rddreg [dreg:$0x7];
	s16 =	simm.s32 $0x0  }
0x2d: {  	[tilespmem:s29], [sflag:$0x8] =	stream.linear.gather [hbm4b:s25+s5], $0x80, $0x38;
	[tilespmem:$0x10C00] =	vst v63  }
.LBB2_2:
0x2e: {  	_ =	swait.ge [sflag:s21], $0x80  }
0x2f: {  	p0 =	seq.s32 s16, $0x0;
	[sflag:s21] =	ssyncset.done $0x0  }
0x30: {  	s0 =	simm.s32 @!p0 $0x1;
	[sflag:s21] =	ssyncadd.s32 $0xFFFFFF80  }
0x31: {  	_ =	swait.ge @!p0 [sflag:s0], $0x4000  }
0x32: {  	[sflag:s0] =	ssyncset.done @!p0 $0x0  }
0x33: {  	s22 =	simm.s32 $0x2;
	[sflag:s0] =	ssyncadd.s32 @!p0 $0xFFFFC000  }
0x34: {  	v0 =	vld [tilespmem:s22+$0x1];
	_ =	sdelay $0x1  }
0x35: {  	v1 =	vld [tilespmem:s22+$0xFFFFFFFF]  }
0x36: {  	v2 =	vld [tilespmem:s22+$0x0]  }
0x37: {  	v3 =	vld [tilespmem:s22+$0xFFFFFFFE]  }
0x38: {  	(v2sf) =	vpush v0, $0x0;
	_ =	sdelay $0x1  }
0x39: {  	(v2sf) =	vpush v1, $0x0  }
0x3a: {  	(v2sf) =	vpush v2, $0x0  }
0x3b: {  	(v2sf) =	vpush v3, $0x0;
	_ =	sdelay $0xa  }
0x3c: {  	s0 =	spop (v2sf)  }
0x3d: {  	p1 =	sgt.s32 s0, $0x0  }
0x3e: {  	s3 =	spop (v2sf);
	s0 =	simm.s32 @!p1 $0x0  }
0x3f: {  	s6 =	spop (v2sf);
	s0 =	smin.u32 s0, $0x9  }
0x40: {  	p2 =	sgt.s32 s3, $0x0;
	s8 =	sshll.u32 s0, $0x7;
	s0 =	spop (v2sf)  }
0x41: {  	s3 =	simm.s32 @!p2 $0x0;
	p2 =	sgt.s32 s0, $0x0  }
0x42: {  	p1 =	sgt.s32 s6, $0x0;
	v0 =	vld [tilespmem:s8+$0x400];
	s0 =	simm.s32 @!p2 $0x0  }
0x43: {  	s6 =	simm.s32 @!p1 $0x0;
	s0 =	smin.u32 s0, $0x9  }
0x44: {  	s3 =	smin.u32 s3, $0x9;
	s25 =	smin.u32 s6, $0x9;
	s6 =	sshll.u32 s0, $0x7  }
0x45: {  	s10 =	sshll.u32 s3, $0x7;
	v3 =	vld [tilespmem:s6+$0x400]  }
0x46: {  	s9 =	simm.s32 $0xD00;
	s29 =	simm.s32 $0x6;
	v1 =	vld [tilespmem:s10+$0x400]  }
0x47: {  	v4 =	vld [tilespmem:s29+$0x1];
	[tilespmem:s9+$0x80] =	vst v0  }
0x48: {  	s15 =	sshll.u32 s25, $0x7;
	v0 =	vld [tilespmem:s8+$0x410]  }
0x49: {  	v2 =	vld [tilespmem:s15+$0x400]  }
0x4a: {  	v6 =	vld [tilespmem:s29+$0x0];
	[tilespmem:s9+$0xFFFFFF00] =	vst v3  }
0x4b: {  	[tilespmem:s9+$0xFFFFFF80] =	vst v1;
	v3 =	vld [tilespmem:s6+$0x410]  }
0x4c: {  	v1 =	vld [tilespmem:s10+$0x410]  }
0x4d: {  	[tilespmem:s9+$0x90] =	vst v0;
	v0 =	vld [tilespmem:s29+$0xFFFFFFFF]  }
0x4e: {  	[tilespmem:s9+$0x0] =	vst v2;
	v5 =	vld [tilespmem:s8+$0x420]  }
0x4f: {  	v2 =	vld [tilespmem:s15+$0x410]  }
0x50: {  	(v2sf) =	vpush v4, $0x0;
	[tilespmem:s9+$0xFFFFFF10] =	vst v3;
	v3 =	vld [tilespmem:s29+$0xFFFFFFFE]  }
0x51: {  	[tilespmem:s9+$0xFFFFFF90] =	vst v1;
	v1 =	vld [tilespmem:s6+$0x420]  }
0x52: {  	(v2sf) =	vpush v0, $0x0;
	v0 =	vld [tilespmem:s10+$0x420]  }
0x53: {  	[tilespmem:s9+$0xA0] =	vst v5  }
0x54: {  	(v2sf) =	vpush v6, $0x0;
	v4 =	vld [tilespmem:s8+$0x430]  }
0x55: {  	[tilespmem:s9+$0x10] =	vst v2;
	(v2sf) =	vpush v3, $0x0  }
0x56: {  	v2 =	vld [tilespmem:s15+$0x420];
	[tilespmem:s9+$0xFFFFFF20] =	vst v1  }
0x57: {  	[tilespmem:s9+$0xFFFFFFA0] =	vst v0;
	v1 =	vld [tilespmem:s6+$0x430]  }
0x58: {  	v0 =	vld [tilespmem:s10+$0x430]  }
0x59: {  	[tilespmem:s9+$0xB0] =	vst v4  }
0x5a: {  	v3 =	vld [tilespmem:s8+$0x440]  }
0x5b: {  	[tilespmem:s9+$0x20] =	vst v2  }
0x5c: {  	v2 =	vld [tilespmem:s15+$0x430];
	[tilespmem:s9+$0xFFFFFF30] =	vst v1  }
0x5d: {  	[tilespmem:s9+$0xFFFFFFB0] =	vst v0;
	v1 =	vld [tilespmem:s6+$0x440]  }
0x5e: {  	v0 =	vld [tilespmem:s10+$0x440]  }
0x5f: {  	s0 =	spop (v2sf);
	[tilespmem:s9+$0xC0] =	vst v3  }
0x60: {  	p1 =	sgt.s32 s0, $0x0;
	v3 =	vld [tilespmem:s8+$0x450]  }
0x61: {  	s0 =	simm.s32 @!p1 $0x0;
	[tilespmem:s9+$0x30] =	vst v2  }
0x62: {  	s0 =	smin.u32 s0, $0x9;
	v2 =	vld [tilespmem:s15+$0x440];
	s3 =	spop (v2sf);
	[tilespmem:s9+$0xFFFFFF40] =	vst v1  }
0x63: {  	s17 =	sshll.u32 s0, $0x7;
	p2 =	sgt.s32 s3, $0x0;
	s18 =	spop (v2sf);
	[tilespmem:s9+$0xFFFFFFC0] =	vst v0;
	v1 =	vld [tilespmem:s6+$0x450]  }
0x64: {  	s3 =	simm.s32 @!p2 $0x0;
	p1 =	sgt.s32 s18, $0x0;
	v0 =	vld [tilespmem:s10+$0x450];
	s0 =	spop (v2sf)  }
0x65: {  	v4 =	vld [tilespmem:s17+$0x400];
	s3 =	smin.u32 s3, $0x9;
	s18 =	simm.s32 @!p1 $0x0;
	[tilespmem:s9+$0xD0] =	vst v3;
	p2 =	sgt.s32 s0, $0x0  }
0x66: {  	s3 =	sshll.u32 s3, $0x7;
	s18 =	smin.u32 s18, $0x9;
	v3 =	vld [tilespmem:s8+$0x460];
	s0 =	simm.s32 @!p2 $0x0  }
0x67: {  	[tilespmem:s9+$0x40] =	vst v2;
	v2 =	vld [tilespmem:s3+$0x400];
	s18 =	sshll.u32 s18, $0x7;
	s0 =	smin.u32 s0, $0x9  }
0x68: {  	v5 =	vld [tilespmem:s18+$0x400];
	s19 =	sshll.u32 s0, $0x7;
	[tilespmem:s9+$0xFFFFFF50] =	vst v1  }
0x69: {  	[tilespmem:s9+$0xFFFFFFD0] =	vst v0;
	s0 =	simm.s32 $0xF00;
	v6 =	vld [tilespmem:s19+$0x400]  }
0x6a: {  	v7 =	vld [tilespmem:s15+$0x450];
	[tilespmem:s0+$0x80] =	vst v4  }
0x6b: {  	v1 =	vld [tilespmem:s17+$0x410];
	[tilespmem:s9+$0xE0] =	vst v3  }
0x6c: {  	[tilespmem:s0+$0xFFFFFF80] =	vst v2;
	v0 =	vld [tilespmem:s8+$0x470]  }
0x6d: {  	v2 =	vld [tilespmem:s3+$0x410];
	[tilespmem:s0+$0x0] =	vst v5  }
0x6e: {  	v3 =	vld [tilespmem:s18+$0x410];
	[tilespmem:s0+$0xFFFFFF00] =	vst v6  }
0x6f: {  	s20 =	simm.s32 $0x4;
	s22 =	simm.s32 $0xA;
	[tilespmem:s9+$0x50] =	vst v7;
	s8 =	sshll.u32 s16, $0x2;
	v4 =	vld [tilespmem:s19+$0x410]  }
.LBB2_3:
0x70: {  	v5 =	vld [tilespmem:s22+$0x1];
	[tilespmem:s0+$0x90] =	vst v1  }
0x71: {  	s20 =	sadd.s32 $0x4, s20;
	v1 =	vld [tilespmem:s22+$0xFFFFFFFF];
	[tilespmem:s9+$0xF0] =	vst v0  }
0x72: {  	p1 =	slt.u32 s20, $0x7C;
	[tilespmem:s0+$0xFFFFFF90] =	vst v2;
	v0 =	vld [tilespmem:s17+$0x420]  }
0x73: {  	v2 =	vld [tilespmem:s22+$0x0];
	[tilespmem:s0+$0x10] =	vst v3  }
0x74: {  	v3 =	vld [tilespmem:s22+$0xFFFFFFFE];
	[tilespmem:s0+$0xFFFFFF10] =	vst v4  }
0x75: {  	(v2sf) =	vpush v5, $0x0;
	v4 =	vld [tilespmem:s19+$0x420]  }
0x76: {  	(v2sf) =	vpush v1, $0x0;
	v1 =	vld [tilespmem:s3+$0x420]  }
0x77: {  	v5 =	vld [tilespmem:s18+$0x420];
	[tilespmem:s0+$0xA0] =	vst v0  }
0x78: {  	(v2sf) =	vpush v2, $0x0;
	v0 =	vld [tilespmem:s17+$0x430]  }
0x79: {  	(v2sf) =	vpush v3, $0x0;
	v2 =	vld [tilespmem:s6+$0x460]  }
0x7a: {  	[tilespmem:s0+$0xFFFFFF20] =	vst v4;
	v3 =	vld [tilespmem:s10+$0x460]  }
0x7b: {  	v4 =	vld [tilespmem:s19+$0x430];
	[tilespmem:s0+$0xFFFFFFA0] =	vst v1  }
0x7c: {  	v1 =	vld [tilespmem:s3+$0x430];
	[tilespmem:s0+$0x20] =	vst v5  }
0x7d: {  	v5 =	vld [tilespmem:s18+$0x430];
	[tilespmem:s0+$0xB0] =	vst v0  }
0x7e: {  	v0 =	vld [tilespmem:s17+$0x440];
	[tilespmem:s9+$0xFFFFFF60] =	vst v2  }
0x7f: {  	[tilespmem:s9+$0xFFFFFFE0] =	vst v3;
	v2 =	vld [tilespmem:s15+$0x460]  }
0x80: {  	[tilespmem:s0+$0xFFFFFF30] =	vst v4;
	v3 =	vld [tilespmem:s6+$0x470];
	s6 =	smov.u32 s19  }
0x81: {  	v4 =	vld [tilespmem:s6+$0x440];
	[tilespmem:s0+$0xFFFFFFB0] =	vst v1  }
0x82: {  	v1 =	vld [tilespmem:s3+$0x440];
	[tilespmem:s0+$0x30] =	vst v5  }
0x83: {  	v5 =	vld [tilespmem:s18+$0x440];
	[tilespmem:s0+$0xC0] =	vst v0  }
0x84: {  	s19 =	spop (v2sf);
	v0 =	vld [tilespmem:s17+$0x450];
	[tilespmem:s9+$0x60] =	vst v2  }
0x85: {  	p2 =	sgt.s32 s19, $0x0;
	s25 =	spop (v2sf);
	[tilespmem:s9+$0xFFFFFF70] =	vst v3;
	v2 =	vld [tilespmem:s10+$0x470];
	s10 =	smov.u32 s3  }
0x86: {  	p3 =	sgt.s32 s25, $0x0;
	s19 =	simm.s32 @!p2 $0x0;
	[tilespmem:s0+$0xFFFFFF40] =	vst v4;
	v3 =	vld [tilespmem:s15+$0x470];
	s15 =	smov.u32 s18  }
0x87: {  	s25 =	simm.s32 @!p3 $0x0;
	s3 =	smin.u32 s19, $0x9;
	s18 =	spop (v2sf);
	v4 =	vld [tilespmem:s6+$0x450];
	[tilespmem:s0+$0xFFFFFFC0] =	vst v1  }
0x88: {  	p2 =	sgt.s32 s18, $0x0;
	s29 =	sshll.u32 s3, $0x7;
	s19 =	spop (v2sf);
	v1 =	vld [tilespmem:s10+$0x450];
	[tilespmem:s0+$0x40] =	vst v5  }
0x89: {  	s3 =	smin.u32 s25, $0x9;
	p3 =	sgt.s32 s19, $0x0;
	s18 =	simm.s32 @!p2 $0x0;
	v5 =	vld [tilespmem:s29+$0x400];
	[tilespmem:s0+$0xD0] =	vst v0  }
0x8a: {  	s3 =	sshll.u32 s3, $0x7;
	s19 =	simm.s32 @!p3 $0x0;
	s18 =	smin.u32 s18, $0x9;
	v0 =	vld [tilespmem:s17+$0x460];
	[tilespmem:s9+$0xFFFFFFF0] =	vst v2  }
0x8b: {  	s19 =	smin.u32 s19, $0x9;
	v2 =	vld [tilespmem:s3+$0x400];
	s18 =	sshll.u32 s18, $0x7;
	[tilespmem:s9+$0x70] =	vst v3;
	s9 =	smov.u32 s0  }
0x8c: {  	s19 =	sshll.u32 s19, $0x7;
	v3 =	vld [tilespmem:s18+$0x400];
	[tilespmem:s0+$0xFFFFFF50] =	vst v4  }
0x8d: {  	s0 =	sadd.s32 $0x200, s0;
	v4 =	vld [tilespmem:s19+$0x400];
	[tilespmem:s9+$0xFFFFFFD0] =	vst v1  }
0x8e: {  	[tilespmem:s0+$0x80] =	vst v5;
	v5 =	vld [tilespmem:s15+$0x450]  }
.Ltmp2:
0x8f: {  	v1 =	vld [tilespmem:s29+$0x410];
	[tilespmem:s9+$0xE0] =	vst v0;
	(pc) =	sbr.rel @p1 .LBB2_3-.Ltmp2, $4  }
0x90: {  	[tilespmem:s0+$0xFFFFFF80] =	vst v2;
	v0 =	vld [tilespmem:s17+$0x470];
	s17 =	smov.u32 s29  }
0x91: {  	v2 =	vld [tilespmem:s3+$0x410];
	[tilespmem:s0+$0x0] =	vst v3  }
0x92: {  	[tilespmem:s0+$0xFFFFFF00] =	vst v4;
	v3 =	vld [tilespmem:s18+$0x410]  }
0x93: {  	s22 =	sadd.s32 $0x4, s22;
	v4 =	vld [tilespmem:s19+$0x410];
	[tilespmem:s9+$0x50] =	vst v5  }
0x94: {  	_ = 	snop  }
0x95: {  	[tilespmem:s0+$0x90] =	vst v1  }
0x96: {  	v1 =	vld [tilespmem:s17+$0x420];
	[tilespmem:s0+$0xFFFFFF90] =	vst v2  }
0x97: {  	[tilespmem:s0+$0x10] =	vst v3;
	v52 =	vld [tilespmem:s3+$0x420]  }
0x98: {  	[tilespmem:s0+$0xFFFFFF10] =	vst v4;
	v53 =	vld [tilespmem:s18+$0x420]  }
0x99: {  	v51 =	vld [tilespmem:s19+$0x420];
	_ =	sdelay $0x1  }
0x9a: {  	[tilespmem:s0+$0xA0] =	vst v1  }
0x9b: {  	v1 =	vld [tilespmem:s17+$0x430];
	[tilespmem:s0+$0xFFFFFFA0] =	vst v52  }
0x9c: {  	v3 =	vld [tilespmem:s3+$0x430];
	[tilespmem:s0+$0x20] =	vst v53  }
0x9d: {  	[tilespmem:s0+$0xFFFFFF20] =	vst v51;
	v4 =	vld [tilespmem:s18+$0x430]  }
0x9e: {  	v2 =	vld [tilespmem:s19+$0x430];
	_ =	sdelay $0x1  }
0x9f: {  	[tilespmem:s0+$0xB0] =	vst v1  }
0xa0: {  	v1 =	vld [tilespmem:s17+$0x440];
	[tilespmem:s0+$0xFFFFFFB0] =	vst v3  }
0xa1: {  	v3 =	vld [tilespmem:s3+$0x440];
	[tilespmem:s0+$0x30] =	vst v4  }
0xa2: {  	[tilespmem:s0+$0xFFFFFF30] =	vst v2;
	v4 =	vld [tilespmem:s18+$0x440]  }
0xa3: {  	v2 =	vld [tilespmem:s19+$0x440]  }
0xa4: {  	v54 =	vld [tilespmem:s6+$0x460];
	[tilespmem:s9+$0xF0] =	vst v0  }
0xa5: {  	v5 =	vld [tilespmem:s10+$0x460];
	[tilespmem:s0+$0xC0] =	vst v1  }
0xa6: {  	v1 =	vld [tilespmem:s17+$0x450];
	[tilespmem:s0+$0xFFFFFFC0] =	vst v3  }
0xa7: {  	v3 =	vld [tilespmem:s3+$0x450];
	[tilespmem:s0+$0x40] =	vst v4  }
0xa8: {  	[tilespmem:s0+$0xFFFFFF40] =	vst v2;
	v55 =	vld [tilespmem:s18+$0x450]  }
0xa9: {  	[tilespmem:s9+$0xFFFFFF60] =	vst v54;
	v2 =	vld [tilespmem:s19+$0x450]  }
0xaa: {  	v56 =	vld [tilespmem:s15+$0x460];
	[tilespmem:s9+$0xFFFFFFE0] =	vst v5  }
0xab: {  	v57 =	vld [tilespmem:s6+$0x470];
	[tilespmem:s0+$0xD0] =	vst v1  }
0xac: {  	v1 =	vld [tilespmem:s17+$0x460];
	[tilespmem:s0+$0xFFFFFFD0] =	vst v3  }
0xad: {  	[tilespmem:s0+$0x50] =	vst v55;
	v58 =	vld [tilespmem:s3+$0x460]  }
0xae: {  	[tilespmem:s0+$0xFFFFFF50] =	vst v2;
	v59 =	vld [tilespmem:s18+$0x460]  }
0xaf: {  	[tilespmem:s9+$0x60] =	vst v56;
	v2 =	vld [tilespmem:s19+$0x460]  }
0xb0: {  	v60 =	vld [tilespmem:s10+$0x470];
	[tilespmem:s9+$0xFFFFFF70] =	vst v57  }
0xb1: {  	v61 =	vld [tilespmem:s15+$0x470];
	[tilespmem:s0+$0xE0] =	vst v1  }
0xb2: {  	v1 =	vld [tilespmem:s17+$0x470];
	[tilespmem:s0+$0xFFFFFFE0] =	vst v58  }
0xb3: {  	[tilespmem:s0+$0x60] =	vst v59;
	v63 =	vld [tilespmem:s3+$0x470]  }
0xb4: {  	[tilespmem:s0+$0xFFFFFF60] =	vst v2;
	v3 =	vld [tilespmem:s18+$0x470]  }
0xb5: {  	[tilespmem:s9+$0xFFFFFFF0] =	vst v60;
	v62 =	vld [tilespmem:s19+$0x470]  }
0xb6: {  	p1 =	sne.s32 s16, $0xC7;
	[tilespmem:s9+$0x70] =	vst v61  }
.Ltmp3:
0xb7: {  	s25 =	sshll.u32 s16, $0x10;
	[tilespmem:s0+$0xF0] =	vst v1;
	(pc) =	sbr.rel @p1 .LBB2_6-.Ltmp3, $4  }
0xb8: {  	s3 =	sadd.s32 s11, s25;
	[tilespmem:s0+$0xFFFFFFF0] =	vst v63  }
0xb9: {  	s3 =	sshrl.u32 s3, $0x3;
	[tilespmem:s0+$0x70] =	vst v3  }
0xba: {  	s2 =	simm.s32 $0xC00;
	s29 =	sadd.s32 s4, s3;
	[tilespmem:s0+$0xFFFFFF70] =	vst v62  }
0xbb: {  	[hbm4b:s29+s5] =	stream.linear.scatter [tilespmem:s2], [sflag:$0x1], $0x4000, $0x38;
	[tilespmem:$0x10C00] =	vst v63  }
.Ltmp4:
0xbc: {  	(pc) =	sbr.rel .LBB2_7-.Ltmp4, $4  }
0xbd: {  	_ = 	snop  }
0xbe: {  	_ =	swait.ge [sflag:s23], $0x80  }
0xbf: {  	[sflag:s23] =	ssyncset.done $0x0  }
0xc0: {  	[sflag:s23] =	ssyncadd.s32 $0xFFFFFF80  }
.LBB2_6:
0xc1: {  	s0 =	sadd.s32 $0x4, s8  }
0xc2: {  	s3 =	sadd.s32 s7, s0;
	s0 =	sshll.u32 s0, $0x4  }
0xc3: {  	s3 =	sshll.u32 s3, $0x4;
	s0 =	sand.u32 $0x40, s0  }
0xc4: {  	s3 =	sand.u32 $0xFFFFF80, s3;
	s0 =	sadd.s32 s1, s0  }
.Ltmp5:
0xc5: {  	s0 =	sadd.s32 s3, s0;
	(pc) =	sbr.rel @p0 .LBB2_8-.Ltmp5, $4  }
0xc6: {  	[tilespmem:s5], [sflag:$0x5] =	stream.linear.gather [hbm4b:s0+s5], $0x80, $0x38;
	[tilespmem:$0x10C00] =	vst v63  }
0xc7: {  	_ =	swait.ge [sflag:s23], $0x80  }
0xc8: {  	[sflag:s23] =	ssyncset.done $0x0  }
0xc9: {  	[sflag:s23] =	ssyncadd.s32 $0xFFFFFF80  }
.LBB2_7:
0xca: {  	_ =	swait.ge [sflag:s24], $0x4000  }
0xcb: {  	[sflag:s24] =	ssyncset.done $0x0  }
0xcc: {  	[sflag:s24] =	ssyncadd.s32 $0xFFFFC000  }
.LBB2_8:
0xcd: {  	s0 =	simm.s32 $0x83  }
0xce: {  	v0 =	vld [tilespmem:s0+$0x0];
	_ =	sdelay $0x1  }
0xcf: {  	v1 =	vld [tilespmem:s0+$0xFFFFFFFE]  }
0xd0: {  	v2 =	vld [tilespmem:s0+$0xFFFFFFFF]  }
0xd1: {  	v3 =	vld [tilespmem:s0+$0xFFFFFFFD]  }
0xd2: {  	(v2sf) =	vpush v0, $0x0;
	_ =	sdelay $0x1  }
0xd3: {  	(v2sf) =	vpush v1, $0x0  }
0xd4: {  	(v2sf) =	vpush v2, $0x0  }
0xd5: {  	(v2sf) =	vpush v3, $0x0;
	_ =	sdelay $0xa  }
0xd6: {  	s0 =	spop (v2sf)  }
0xd7: {  	p2 =	sgt.s32 s0, $0x0  }
0xd8: {  	s3 =	spop (v2sf);
	s0 =	simm.s32 @!p2 $0x0  }
0xd9: {  	s6 =	spop (v2sf);
	s0 =	smin.u32 s0, $0x9  }
0xda: {  	p3 =	sgt.s32 s3, $0x0;
	s20 =	sshll.u32 s0, $0x7;
	s0 =	spop (v2sf)  }
0xdb: {  	s3 =	simm.s32 @!p3 $0x0;
	p3 =	sgt.s32 s0, $0x0  }
0xdc: {  	p2 =	sgt.s32 s6, $0x0;
	v0 =	vld [tilespmem:s20+$0x400];
	s0 =	simm.s32 @!p3 $0x0  }
0xdd: {  	s6 =	simm.s32 @!p2 $0x0;
	s0 =	smin.u32 s0, $0x9  }
0xde: {  	s3 =	smin.u32 s3, $0x9;
	s25 =	smin.u32 s6, $0x9;
	s6 =	sshll.u32 s0, $0x7  }
0xdf: {  	s10 =	sshll.u32 s3, $0x7;
	v3 =	vld [tilespmem:s6+$0x400]  }
0xe0: {  	s9 =	simm.s32 $0x4C00;
	s29 =	simm.s32 $0x87;
	v1 =	vld [tilespmem:s10+$0x400]  }
0xe1: {  	v4 =	vld [tilespmem:s29+$0x0];
	[tilespmem:s9+$0x180] =	vst v0  }
0xe2: {  	s15 =	sshll.u32 s25, $0x7;
	v0 =	vld [tilespmem:s20+$0x410]  }
0xe3: {  	v2 =	vld [tilespmem:s15+$0x400]  }
0xe4: {  	v6 =	vld [tilespmem:s29+$0xFFFFFFFF];
	[tilespmem:s9+$0x0] =	vst v3  }
0xe5: {  	[tilespmem:s9+$0x80] =	vst v1;
	v3 =	vld [tilespmem:s6+$0x410]  }
0xe6: {  	v1 =	vld [tilespmem:s10+$0x410]  }
0xe7: {  	[tilespmem:s9+$0x190] =	vst v0;
	v0 =	vld [tilespmem:s29+$0xFFFFFFFE]  }
0xe8: {  	[tilespmem:s9+$0x100] =	vst v2;
	v5 =	vld [tilespmem:s20+$0x420]  }
0xe9: {  	v2 =	vld [tilespmem:s15+$0x410]  }
0xea: {  	(v2sf) =	vpush v4, $0x0;
	[tilespmem:s9+$0x10] =	vst v3;
	v3 =	vld [tilespmem:s29+$0xFFFFFFFD]  }
0xeb: {  	[tilespmem:s9+$0x90] =	vst v1;
	v1 =	vld [tilespmem:s6+$0x420]  }
0xec: {  	(v2sf) =	vpush v0, $0x0;
	v0 =	vld [tilespmem:s10+$0x420]  }
0xed: {  	[tilespmem:s9+$0x1A0] =	vst v5  }
0xee: {  	(v2sf) =	vpush v6, $0x0;
	v4 =	vld [tilespmem:s20+$0x430]  }
0xef: {  	[tilespmem:s9+$0x110] =	vst v2;
	(v2sf) =	vpush v3, $0x0  }
0xf0: {  	v2 =	vld [tilespmem:s15+$0x420];
	[tilespmem:s9+$0x20] =	vst v1  }
0xf1: {  	[tilespmem:s9+$0xA0] =	vst v0;
	v1 =	vld [tilespmem:s6+$0x430]  }
0xf2: {  	v0 =	vld [tilespmem:s10+$0x430]  }
0xf3: {  	[tilespmem:s9+$0x1B0] =	vst v4  }
0xf4: {  	v3 =	vld [tilespmem:s20+$0x440]  }
0xf5: {  	[tilespmem:s9+$0x120] =	vst v2  }
0xf6: {  	v2 =	vld [tilespmem:s15+$0x430];
	[tilespmem:s9+$0x30] =	vst v1  }
0xf7: {  	[tilespmem:s9+$0xB0] =	vst v0;
	v1 =	vld [tilespmem:s6+$0x440]  }
0xf8: {  	v0 =	vld [tilespmem:s10+$0x440]  }
0xf9: {  	s0 =	spop (v2sf);
	[tilespmem:s9+$0x1C0] =	vst v3  }
0xfa: {  	p2 =	sgt.s32 s0, $0x0;
	v3 =	vld [tilespmem:s20+$0x450]  }
0xfb: {  	s0 =	simm.s32 @!p2 $0x0;
	[tilespmem:s9+$0x130] =	vst v2  }
0xfc: {  	s0 =	smin.u32 s0, $0x9;
	v2 =	vld [tilespmem:s15+$0x440];
	s3 =	spop (v2sf);
	[tilespmem:s9+$0x40] =	vst v1  }
0xfd: {  	s17 =	sshll.u32 s0, $0x7;
	p3 =	sgt.s32 s3, $0x0;
	s18 =	spop (v2sf);
	[tilespmem:s9+$0xC0] =	vst v0;
	v1 =	vld [tilespmem:s6+$0x450]  }
0xfe: {  	s3 =	simm.s32 @!p3 $0x0;
	p2 =	sgt.s32 s18, $0x0;
	v0 =	vld [tilespmem:s10+$0x450];
	s0 =	spop (v2sf)  }
0xff: {  	v4 =	vld [tilespmem:s17+$0x400];
	s3 =	smin.u32 s3, $0x9;
	s18 =	simm.s32 @!p2 $0x0;
	[tilespmem:s9+$0x1D0] =	vst v3;
	p3 =	sgt.s32 s0, $0x0  }
0x100: {  	s3 =	sshll.u32 s3, $0x7;
	s18 =	smin.u32 s18, $0x9;
	v3 =	vld [tilespmem:s20+$0x460];
	s0 =	simm.s32 @!p3 $0x0  }
0x101: {  	[tilespmem:s9+$0x140] =	vst v2;
	v2 =	vld [tilespmem:s3+$0x400];
	s18 =	sshll.u32 s18, $0x7;
	s0 =	smin.u32 s0, $0x9  }
0x102: {  	v5 =	vld [tilespmem:s18+$0x400];
	s19 =	sshll.u32 s0, $0x7;
	[tilespmem:s9+$0x50] =	vst v1  }
0x103: {  	[tilespmem:s9+$0xD0] =	vst v0;
	s0 =	simm.s32 $0x4E00;
	v6 =	vld [tilespmem:s19+$0x400]  }
0x104: {  	v7 =	vld [tilespmem:s15+$0x450];
	[tilespmem:s0+$0x180] =	vst v4  }
0x105: {  	v1 =	vld [tilespmem:s17+$0x410];
	[tilespmem:s9+$0x1E0] =	vst v3  }
0x106: {  	[tilespmem:s0+$0x80] =	vst v2;
	v0 =	vld [tilespmem:s20+$0x470]  }
0x107: {  	v2 =	vld [tilespmem:s3+$0x410];
	[tilespmem:s0+$0x100] =	vst v5  }
0x108: {  	v3 =	vld [tilespmem:s18+$0x410];
	[tilespmem:s0+$0x0] =	vst v6  }
0x109: {  	s22 =	simm.s32 $0x8B;
	[tilespmem:s9+$0x150] =	vst v7;
	s20 =	simm.s32 $0x4;
	v4 =	vld [tilespmem:s19+$0x410]  }
.LBB2_9:
0x10a: {  	v5 =	vld [tilespmem:s22+$0x0];
	[tilespmem:s0+$0x190] =	vst v1  }
0x10b: {  	s20 =	sadd.s32 $0x4, s20;
	v1 =	vld [tilespmem:s22+$0xFFFFFFFE];
	[tilespmem:s9+$0x1F0] =	vst v0  }
0x10c: {  	p2 =	slt.u32 s20, $0x7C;
	[tilespmem:s0+$0x90] =	vst v2;
	v0 =	vld [tilespmem:s17+$0x420]  }
0x10d: {  	v2 =	vld [tilespmem:s22+$0xFFFFFFFF];
	[tilespmem:s0+$0x110] =	vst v3  }
0x10e: {  	v3 =	vld [tilespmem:s22+$0xFFFFFFFD];
	[tilespmem:s0+$0x10] =	vst v4  }
0x10f: {  	(v2sf) =	vpush v5, $0x0;
	v4 =	vld [tilespmem:s19+$0x420]  }
0x110: {  	(v2sf) =	vpush v1, $0x0;
	v1 =	vld [tilespmem:s3+$0x420]  }
0x111: {  	v5 =	vld [tilespmem:s18+$0x420];
	[tilespmem:s0+$0x1A0] =	vst v0  }
0x112: {  	(v2sf) =	vpush v2, $0x0;
	v0 =	vld [tilespmem:s17+$0x430]  }
0x113: {  	(v2sf) =	vpush v3, $0x0;
	v2 =	vld [tilespmem:s6+$0x460]  }
0x114: {  	[tilespmem:s0+$0x20] =	vst v4;
	v3 =	vld [tilespmem:s10+$0x460]  }
0x115: {  	v4 =	vld [tilespmem:s19+$0x430];
	[tilespmem:s0+$0xA0] =	vst v1  }
0x116: {  	v1 =	vld [tilespmem:s3+$0x430];
	[tilespmem:s0+$0x120] =	vst v5  }
0x117: {  	v5 =	vld [tilespmem:s18+$0x430];
	[tilespmem:s0+$0x1B0] =	vst v0  }
0x118: {  	v0 =	vld [tilespmem:s17+$0x440];
	[tilespmem:s9+$0x60] =	vst v2  }
0x119: {  	[tilespmem:s9+$0xE0] =	vst v3;
	v2 =	vld [tilespmem:s15+$0x460]  }
0x11a: {  	[tilespmem:s0+$0x30] =	vst v4;
	v3 =	vld [tilespmem:s6+$0x470];
	s6 =	smov.u32 s19  }
0x11b: {  	v4 =	vld [tilespmem:s6+$0x440];
	[tilespmem:s0+$0xB0] =	vst v1  }
0x11c: {  	v1 =	vld [tilespmem:s3+$0x440];
	[tilespmem:s0+$0x130] =	vst v5  }
0x11d: {  	v5 =	vld [tilespmem:s18+$0x440];
	[tilespmem:s0+$0x1C0] =	vst v0  }
0x11e: {  	s19 =	spop (v2sf);
	v0 =	vld [tilespmem:s17+$0x450];
	[tilespmem:s9+$0x160] =	vst v2  }
0x11f: {  	p3 =	sgt.s32 s19, $0x0;
	s25 =	spop (v2sf);
	[tilespmem:s9+$0x70] =	vst v3;
	v2 =	vld [tilespmem:s10+$0x470];
	s10 =	smov.u32 s3  }
0x120: {  	p4 =	sgt.s32 s25, $0x0;
	s19 =	simm.s32 @!p3 $0x0;
	[tilespmem:s0+$0x40] =	vst v4;
	v3 =	vld [tilespmem:s15+$0x470];
	s15 =	smov.u32 s18  }
0x121: {  	s25 =	simm.s32 @!p4 $0x0;
	s3 =	smin.u32 s19, $0x9;
	s18 =	spop (v2sf);
	v4 =	vld [tilespmem:s6+$0x450];
	[tilespmem:s0+$0xC0] =	vst v1  }
0x122: {  	p3 =	sgt.s32 s18, $0x0;
	s29 =	sshll.u32 s3, $0x7;
	s19 =	spop (v2sf);
	v1 =	vld [tilespmem:s10+$0x450];
	[tilespmem:s0+$0x140] =	vst v5  }
0x123: {  	s3 =	smin.u32 s25, $0x9;
	p4 =	sgt.s32 s19, $0x0;
	s18 =	simm.s32 @!p3 $0x0;
	v5 =	vld [tilespmem:s29+$0x400];
	[tilespmem:s0+$0x1D0] =	vst v0  }
0x124: {  	s3 =	sshll.u32 s3, $0x7;
	s19 =	simm.s32 @!p4 $0x0;
	s18 =	smin.u32 s18, $0x9;
	v0 =	vld [tilespmem:s17+$0x460];
	[tilespmem:s9+$0xF0] =	vst v2  }
0x125: {  	s19 =	smin.u32 s19, $0x9;
	v2 =	vld [tilespmem:s3+$0x400];
	s18 =	sshll.u32 s18, $0x7;
	[tilespmem:s9+$0x170] =	vst v3;
	s9 =	smov.u32 s0  }
0x126: {  	s19 =	sshll.u32 s19, $0x7;
	v3 =	vld [tilespmem:s18+$0x400];
	[tilespmem:s0+$0x50] =	vst v4  }
0x127: {  	s0 =	sadd.s32 $0x200, s0;
	v4 =	vld [tilespmem:s19+$0x400];
	[tilespmem:s9+$0xD0] =	vst v1  }
0x128: {  	[tilespmem:s0+$0x180] =	vst v5;
	v5 =	vld [tilespmem:s15+$0x450]  }
.Ltmp6:
0x129: {  	v1 =	vld [tilespmem:s29+$0x410];
	[tilespmem:s9+$0x1E0] =	vst v0;
	(pc) =	sbr.rel @p2 .LBB2_9-.Ltmp6, $4  }
0x12a: {  	[tilespmem:s0+$0x80] =	vst v2;
	v0 =	vld [tilespmem:s17+$0x470];
	s17 =	smov.u32 s29  }
0x12b: {  	v2 =	vld [tilespmem:s3+$0x410];
	[tilespmem:s0+$0x100] =	vst v3  }
0x12c: {  	[tilespmem:s0+$0x0] =	vst v4;
	v3 =	vld [tilespmem:s18+$0x410]  }
0x12d: {  	s22 =	sadd.s32 $0x4, s22;
	v4 =	vld [tilespmem:s19+$0x410];
	[tilespmem:s9+$0x150] =	vst v5  }
0x12e: {  	_ = 	snop  }
0x12f: {  	[tilespmem:s0+$0x190] =	vst v1  }
0x130: {  	v1 =	vld [tilespmem:s17+$0x420];
	[tilespmem:s0+$0x90] =	vst v2  }
0x131: {  	[tilespmem:s0+$0x110] =	vst v3;
	v52 =	vld [tilespmem:s3+$0x420]  }
0x132: {  	[tilespmem:s0+$0x10] =	vst v4;
	v53 =	vld [tilespmem:s18+$0x420]  }
0x133: {  	v51 =	vld [tilespmem:s19+$0x420];
	_ =	sdelay $0x1  }
0x134: {  	[tilespmem:s0+$0x1A0] =	vst v1  }
0x135: {  	v1 =	vld [tilespmem:s17+$0x430];
	[tilespmem:s0+$0xA0] =	vst v52  }
0x136: {  	v3 =	vld [tilespmem:s3+$0x430];
	[tilespmem:s0+$0x120] =	vst v53  }
0x137: {  	[tilespmem:s0+$0x20] =	vst v51;
	v4 =	vld [tilespmem:s18+$0x430]  }
0x138: {  	v2 =	vld [tilespmem:s19+$0x430];
	_ =	sdelay $0x1  }
0x139: {  	[tilespmem:s0+$0x1B0] =	vst v1  }
0x13a: {  	v1 =	vld [tilespmem:s17+$0x440];
	[tilespmem:s0+$0xB0] =	vst v3  }
0x13b: {  	v3 =	vld [tilespmem:s3+$0x440];
	[tilespmem:s0+$0x130] =	vst v4  }
0x13c: {  	[tilespmem:s0+$0x30] =	vst v2;
	v4 =	vld [tilespmem:s18+$0x440]  }
0x13d: {  	v2 =	vld [tilespmem:s19+$0x440]  }
0x13e: {  	v54 =	vld [tilespmem:s6+$0x460];
	[tilespmem:s9+$0x1F0] =	vst v0  }
0x13f: {  	v5 =	vld [tilespmem:s10+$0x460];
	[tilespmem:s0+$0x1C0] =	vst v1  }
0x140: {  	v1 =	vld [tilespmem:s17+$0x450];
	[tilespmem:s0+$0xC0] =	vst v3  }
0x141: {  	v3 =	vld [tilespmem:s3+$0x450];
	[tilespmem:s0+$0x140] =	vst v4  }
0x142: {  	[tilespmem:s0+$0x40] =	vst v2;
	v55 =	vld [tilespmem:s18+$0x450]  }
0x143: {  	[tilespmem:s9+$0x60] =	vst v54;
	v2 =	vld [tilespmem:s19+$0x450]  }
0x144: {  	v56 =	vld [tilespmem:s15+$0x460];
	[tilespmem:s9+$0xE0] =	vst v5  }
0x145: {  	v57 =	vld [tilespmem:s6+$0x470];
	[tilespmem:s0+$0x1D0] =	vst v1  }
0x146: {  	v1 =	vld [tilespmem:s17+$0x460];
	[tilespmem:s0+$0xD0] =	vst v3  }
0x147: {  	[tilespmem:s0+$0x150] =	vst v55;
	v58 =	vld [tilespmem:s3+$0x460]  }
0x148: {  	[tilespmem:s0+$0x50] =	vst v2;
	v59 =	vld [tilespmem:s18+$0x460]  }
0x149: {  	[tilespmem:s9+$0x160] =	vst v56;
	v2 =	vld [tilespmem:s19+$0x460]  }
0x14a: {  	v60 =	vld [tilespmem:s10+$0x470];
	[tilespmem:s9+$0x70] =	vst v57  }
0x14b: {  	v61 =	vld [tilespmem:s15+$0x470];
	[tilespmem:s0+$0x1E0] =	vst v1  }
0x14c: {  	v1 =	vld [tilespmem:s17+$0x470];
	[tilespmem:s0+$0xE0] =	vst v58  }
0x14d: {  	[tilespmem:s0+$0x160] =	vst v59;
	v63 =	vld [tilespmem:s3+$0x470]  }
0x14e: {  	[tilespmem:s0+$0x60] =	vst v2;
	v3 =	vld [tilespmem:s18+$0x470]  }
0x14f: {  	[tilespmem:s9+$0xF0] =	vst v60;
	v62 =	vld [tilespmem:s19+$0x470]  }
0x150: {  	[tilespmem:s9+$0x170] =	vst v61  }
.Ltmp7:
0x151: {  	s9 =	sshll.u32 s16, $0x9;
	[tilespmem:s0+$0x1F0] =	vst v1;
	(pc) =	sbr.rel @p1 .LBB2_12-.Ltmp7, $4  }
0x152: {  	s25 =	sadd.s32 s9, s12;
	[tilespmem:s0+$0xF0] =	vst v63  }
0x153: {  	s3 =	sshll.u32 s25, $0x4;
	[tilespmem:s0+$0x170] =	vst v3  }
0x154: {  	s2 =	simm.s32 $0x4C00;
	s29 =	sadd.s32 s4, s3;
	[tilespmem:s0+$0x70] =	vst v62  }
0x155: {  	[hbm4b:s29+s5] =	stream.linear.scatter [tilespmem:s2], [sflag:$0x2], $0x4000, $0x38;
	[tilespmem:$0x10C00] =	vst v63  }
.Ltmp8:
0x156: {  	(pc) =	sbr.rel .LBB2_13-.Ltmp8, $4  }
0x157: {  	_ = 	snop  }
0x158: {  	_ =	swait.ge [sflag:s26], $0x80  }
0x159: {  	[sflag:s26] =	ssyncset.done $0x0  }
0x15a: {  	[sflag:s26] =	ssyncadd.s32 $0xFFFFFF80  }
.LBB2_12:
0x15b: {  	s0 =	sadd.s32 $0x5, s8  }
0x15c: {  	s3 =	sadd.s32 s7, s0;
	s0 =	sshll.u32 s0, $0x4  }
0x15d: {  	s3 =	sshll.u32 s3, $0x4;
	s0 =	sand.u32 $0x50, s0  }
0x15e: {  	s3 =	sand.u32 $0xFFFFF80, s3;
	s0 =	sadd.s32 s1, s0  }
.Ltmp9:
0x15f: {  	s2 =	simm.s32 $0x80;
	s0 =	sadd.s32 s3, s0;
	(pc) =	sbr.rel @p0 .LBB2_14-.Ltmp9, $4  }
0x160: {  	[tilespmem:s2], [sflag:$0x6] =	stream.linear.gather [hbm4b:s0+s5], $0x80, $0x38;
	[tilespmem:$0x10C00] =	vst v63  }
0x161: {  	_ =	swait.ge [sflag:s26], $0x80  }
0x162: {  	[sflag:s26] =	ssyncset.done $0x0  }
0x163: {  	[sflag:s26] =	ssyncadd.s32 $0xFFFFFF80  }
.LBB2_13:
0x164: {  	_ =	swait.ge [sflag:s28], $0x4000  }
0x165: {  	[sflag:s28] =	ssyncset.done $0x0  }
0x166: {  	[sflag:s28] =	ssyncadd.s32 $0xFFFFC000  }
.LBB2_14:
0x167: {  	s0 =	simm.s32 $0x103  }
0x168: {  	v0 =	vld [tilespmem:s0+$0x0];
	_ =	sdelay $0x1  }
0x169: {  	v1 =	vld [tilespmem:s0+$0xFFFFFFFE]  }
0x16a: {  	v2 =	vld [tilespmem:s0+$0xFFFFFFFF]  }
0x16b: {  	v3 =	vld [tilespmem:s0+$0xFFFFFFFD]  }
0x16c: {  	(v2sf) =	vpush v0, $0x0;
	_ =	sdelay $0x1  }
0x16d: {  	(v2sf) =	vpush v1, $0x0  }
0x16e: {  	(v2sf) =	vpush v2, $0x0  }
0x16f: {  	(v2sf) =	vpush v3, $0x0;
	_ =	sdelay $0xa  }
0x170: {  	s0 =	spop (v2sf)  }
0x171: {  	p2 =	sgt.s32 s0, $0x0  }
0x172: {  	s3 =	spop (v2sf);
	s0 =	simm.s32 @!p2 $0x0  }
0x173: {  	s6 =	spop (v2sf);
	s0 =	smin.u32 s0, $0x9  }
0x174: {  	p3 =	sgt.s32 s3, $0x0;
	s22 =	sshll.u32 s0, $0x7;
	s0 =	spop (v2sf)  }
0x175: {  	s3 =	simm.s32 @!p3 $0x0;
	p3 =	sgt.s32 s0, $0x0  }
0x176: {  	v0 =	vld [tilespmem:s22+$0x400];
	s0 =	simm.s32 @!p3 $0x0  }
0x177: {  	s0 =	smin.u32 s0, $0x9  }
0x178: {  	s3 =	smin.u32 s3, $0x9;
	s17 =	sshll.u32 s0, $0x7  }
0x179: {  	p2 =	sgt.s32 s6, $0x0;
	s15 =	sshll.u32 s3, $0x7;
	v3 =	vld [tilespmem:s17+$0x400]  }
0x17a: {  	s10 =	simm.s32 $0x8C00;
	s25 =	simm.s32 $0x107;
	s6 =	simm.s32 @!p2 $0x0;
	v1 =	vld [tilespmem:s15+$0x400]  }
0x17b: {  	v4 =	vld [tilespmem:s25+$0x0];
	s20 =	smin.u32 s6, $0x9;
	[tilespmem:s10+$0x180] =	vst v0  }
0x17c: {  	s6 =	sshll.u32 s20, $0x7;
	v0 =	vld [tilespmem:s22+$0x410]  }
0x17d: {  	v2 =	vld [tilespmem:s6+$0x400]  }
0x17e: {  	v6 =	vld [tilespmem:s25+$0xFFFFFFFF];
	[tilespmem:s10+$0x0] =	vst v3  }
0x17f: {  	[tilespmem:s10+$0x80] =	vst v1;
	v3 =	vld [tilespmem:s17+$0x410]  }
0x180: {  	v1 =	vld [tilespmem:s15+$0x410]  }
0x181: {  	[tilespmem:s10+$0x190] =	vst v0;
	v0 =	vld [tilespmem:s25+$0xFFFFFFFE]  }
0x182: {  	[tilespmem:s10+$0x100] =	vst v2;
	v5 =	vld [tilespmem:s22+$0x420]  }
0x183: {  	(v2sf) =	vpush v4, $0x0;
	v2 =	vld [tilespmem:s6+$0x410]  }
0x184: {  	[tilespmem:s10+$0x10] =	vst v3;
	v3 =	vld [tilespmem:s25+$0xFFFFFFFD];
	_ =	sdelay $0x1  }
0x185: {  	[tilespmem:s10+$0x90] =	vst v1;
	v1 =	vld [tilespmem:s17+$0x420]  }
0x186: {  	(v2sf) =	vpush v0, $0x0;
	v0 =	vld [tilespmem:s15+$0x420];
	[tilespmem:s10+$0x1A0] =	vst v5  }
0x187: {  	(v2sf) =	vpush v6, $0x0;
	v4 =	vld [tilespmem:s22+$0x430]  }
0x188: {  	[tilespmem:s10+$0x110] =	vst v2;
	(v2sf) =	vpush v3, $0x0  }
0x189: {  	v2 =	vld [tilespmem:s6+$0x420]  }
0x18a: {  	[tilespmem:s10+$0x20] =	vst v1  }
0x18b: {  	[tilespmem:s10+$0xA0] =	vst v0;
	v1 =	vld [tilespmem:s17+$0x430]  }
0x18c: {  	v0 =	vld [tilespmem:s15+$0x430];
	[tilespmem:s10+$0x1B0] =	vst v4  }
0x18d: {  	v3 =	vld [tilespmem:s22+$0x440]  }
0x18e: {  	[tilespmem:s10+$0x120] =	vst v2  }
0x18f: {  	v2 =	vld [tilespmem:s6+$0x430]  }
0x190: {  	[tilespmem:s10+$0x30] =	vst v1  }
0x191: {  	s0 =	spop (v2sf);
	[tilespmem:s10+$0xB0] =	vst v0;
	v1 =	vld [tilespmem:s17+$0x440]  }
0x192: {  	p2 =	sgt.s32 s0, $0x0;
	v0 =	vld [tilespmem:s15+$0x440];
	[tilespmem:s10+$0x1C0] =	vst v3  }
0x193: {  	s0 =	simm.s32 @!p2 $0x0;
	v3 =	vld [tilespmem:s22+$0x450]  }
0x194: {  	s0 =	smin.u32 s0, $0x9;
	[tilespmem:s10+$0x130] =	vst v2  }
0x195: {  	s0 =	sshll.u32 s0, $0x7;
	v2 =	vld [tilespmem:s6+$0x440];
	s3 =	spop (v2sf)  }
0x196: {  	v4 =	vld [tilespmem:s0+$0x400];
	p3 =	sgt.s32 s3, $0x0;
	s19 =	spop (v2sf);
	[tilespmem:s10+$0x40] =	vst v1  }
0x197: {  	s3 =	simm.s32 @!p3 $0x0;
	[tilespmem:s10+$0xC0] =	vst v0;
	p2 =	sgt.s32 s19, $0x0;
	v1 =	vld [tilespmem:s17+$0x450];
	s20 =	spop (v2sf)  }
0x198: {  	v0 =	vld [tilespmem:s15+$0x450];
	s3 =	smin.u32 s3, $0x9;
	s19 =	simm.s32 @!p2 $0x0;
	[tilespmem:s10+$0x1D0] =	vst v3;
	p3 =	sgt.s32 s20, $0x0  }
0x199: {  	s18 =	sshll.u32 s3, $0x7;
	s29 =	smin.u32 s19, $0x9;
	v3 =	vld [tilespmem:s22+$0x460];
	s20 =	simm.s32 @!p3 $0x0  }
0x19a: {  	[tilespmem:s10+$0x140] =	vst v2;
	s3 =	simm.s32 $0x8E00;
	v2 =	vld [tilespmem:s18+$0x400];
	s19 =	sshll.u32 s29, $0x7;
	s20 =	smin.u32 s20, $0x9  }
0x19b: {  	[tilespmem:s3+$0x180] =	vst v4;
	v5 =	vld [tilespmem:s19+$0x400];
	s20 =	sshll.u32 s20, $0x7  }
0x19c: {  	[tilespmem:s10+$0x50] =	vst v1;
	v6 =	vld [tilespmem:s20+$0x400]  }
0x19d: {  	v7 =	vld [tilespmem:s6+$0x450];
	[tilespmem:s10+$0xD0] =	vst v0  }
0x19e: {  	v1 =	vld [tilespmem:s0+$0x410];
	[tilespmem:s10+$0x1E0] =	vst v3  }
0x19f: {  	[tilespmem:s3+$0x80] =	vst v2;
	v0 =	vld [tilespmem:s22+$0x470]  }
0x1a0: {  	v2 =	vld [tilespmem:s18+$0x410];
	[tilespmem:s3+$0x100] =	vst v5  }
0x1a1: {  	v3 =	vld [tilespmem:s19+$0x410];
	[tilespmem:s3+$0x0] =	vst v6  }
0x1a2: {  	s25 =	simm.s32 $0x10B;
	[tilespmem:s10+$0x150] =	vst v7;
	s22 =	simm.s32 $0x4;
	v4 =	vld [tilespmem:s20+$0x410]  }
.LBB2_15:
0x1a3: {  	v5 =	vld [tilespmem:s25+$0x0];
	[tilespmem:s3+$0x190] =	vst v1  }
0x1a4: {  	s22 =	sadd.s32 $0x4, s22;
	v1 =	vld [tilespmem:s25+$0xFFFFFFFE];
	[tilespmem:s10+$0x1F0] =	vst v0  }
0x1a5: {  	p2 =	slt.u32 s22, $0x7C;
	[tilespmem:s3+$0x90] =	vst v2;
	v0 =	vld [tilespmem:s0+$0x420]  }
0x1a6: {  	v2 =	vld [tilespmem:s25+$0xFFFFFFFF];
	[tilespmem:s3+$0x110] =	vst v3  }
0x1a7: {  	v3 =	vld [tilespmem:s25+$0xFFFFFFFD];
	[tilespmem:s3+$0x10] =	vst v4  }
0x1a8: {  	(v2sf) =	vpush v5, $0x0;
	v4 =	vld [tilespmem:s20+$0x420]  }
0x1a9: {  	(v2sf) =	vpush v1, $0x0;
	v1 =	vld [tilespmem:s18+$0x420]  }
0x1aa: {  	v5 =	vld [tilespmem:s19+$0x420];
	[tilespmem:s3+$0x1A0] =	vst v0  }
0x1ab: {  	(v2sf) =	vpush v2, $0x0;
	v0 =	vld [tilespmem:s0+$0x430]  }
0x1ac: {  	(v2sf) =	vpush v3, $0x0;
	v2 =	vld [tilespmem:s17+$0x460]  }
0x1ad: {  	[tilespmem:s3+$0x20] =	vst v4;
	v3 =	vld [tilespmem:s15+$0x460]  }
0x1ae: {  	v4 =	vld [tilespmem:s20+$0x430];
	[tilespmem:s3+$0xA0] =	vst v1  }
0x1af: {  	v1 =	vld [tilespmem:s18+$0x430];
	[tilespmem:s3+$0x120] =	vst v5  }
0x1b0: {  	v5 =	vld [tilespmem:s19+$0x430];
	[tilespmem:s3+$0x1B0] =	vst v0  }
0x1b1: {  	v0 =	vld [tilespmem:s0+$0x440];
	[tilespmem:s10+$0x60] =	vst v2  }
0x1b2: {  	[tilespmem:s10+$0xE0] =	vst v3;
	v2 =	vld [tilespmem:s6+$0x460]  }
0x1b3: {  	[tilespmem:s3+$0x30] =	vst v4;
	v3 =	vld [tilespmem:s17+$0x470];
	s17 =	smov.u32 s20  }
0x1b4: {  	v4 =	vld [tilespmem:s17+$0x440];
	[tilespmem:s3+$0xB0] =	vst v1  }
0x1b5: {  	v1 =	vld [tilespmem:s18+$0x440];
	[tilespmem:s3+$0x130] =	vst v5  }
0x1b6: {  	v5 =	vld [tilespmem:s19+$0x440];
	[tilespmem:s3+$0x1C0] =	vst v0  }
0x1b7: {  	s20 =	spop (v2sf);
	v0 =	vld [tilespmem:s0+$0x450];
	[tilespmem:s10+$0x160] =	vst v2  }
0x1b8: {  	p3 =	sgt.s32 s20, $0x0;
	s29 =	spop (v2sf);
	[tilespmem:s10+$0x70] =	vst v3;
	v2 =	vld [tilespmem:s15+$0x470];
	s15 =	smov.u32 s18  }
0x1b9: {  	p4 =	sgt.s32 s29, $0x0;
	s20 =	simm.s32 @!p3 $0x0;
	[tilespmem:s3+$0x40] =	vst v4;
	v3 =	vld [tilespmem:s6+$0x470];
	s6 =	smov.u32 s19  }
0x1ba: {  	s29 =	simm.s32 @!p4 $0x0;
	s18 =	smin.u32 s20, $0x9;
	s19 =	spop (v2sf);
	v4 =	vld [tilespmem:s17+$0x450];
	[tilespmem:s3+$0xC0] =	vst v1  }
0x1bb: {  	p3 =	sgt.s32 s19, $0x0;
	s2 =	sshll.u32 s18, $0x7;
	s20 =	spop (v2sf);
	v1 =	vld [tilespmem:s15+$0x450];
	[tilespmem:s3+$0x140] =	vst v5  }
0x1bc: {  	s18 =	smin.u32 s29, $0x9;
	p4 =	sgt.s32 s20, $0x0;
	s19 =	simm.s32 @!p3 $0x0;
	v5 =	vld [tilespmem:s2+$0x400];
	[tilespmem:s3+$0x1D0] =	vst v0  }
0x1bd: {  	s18 =	sshll.u32 s18, $0x7;
	s20 =	simm.s32 @!p4 $0x0;
	s19 =	smin.u32 s19, $0x9;
	v0 =	vld [tilespmem:s0+$0x460];
	[tilespmem:s10+$0xF0] =	vst v2  }
0x1be: {  	s20 =	smin.u32 s20, $0x9;
	v2 =	vld [tilespmem:s18+$0x400];
	s19 =	sshll.u32 s19, $0x7;
	[tilespmem:s10+$0x170] =	vst v3;
	s10 =	smov.u32 s3  }
0x1bf: {  	s20 =	sshll.u32 s20, $0x7;
	v3 =	vld [tilespmem:s19+$0x400];
	[tilespmem:s3+$0x50] =	vst v4  }
0x1c0: {  	s3 =	sadd.s32 $0x200, s3;
	v4 =	vld [tilespmem:s20+$0x400];
	[tilespmem:s10+$0xD0] =	vst v1  }
0x1c1: {  	[tilespmem:s3+$0x180] =	vst v5;
	v5 =	vld [tilespmem:s6+$0x450]  }
.Ltmp10:
0x1c2: {  	v1 =	vld [tilespmem:s2+$0x410];
	[tilespmem:s10+$0x1E0] =	vst v0;
	(pc) =	sbr.rel @p2 .LBB2_15-.Ltmp10, $4  }
0x1c3: {  	[tilespmem:s3+$0x80] =	vst v2;
	v0 =	vld [tilespmem:s0+$0x470];
	s0 =	smov.u32 s2  }
0x1c4: {  	v2 =	vld [tilespmem:s18+$0x410];
	[tilespmem:s3+$0x100] =	vst v3  }
0x1c5: {  	[tilespmem:s3+$0x0] =	vst v4;
	v3 =	vld [tilespmem:s19+$0x410]  }
0x1c6: {  	s25 =	sadd.s32 $0x4, s25;
	v4 =	vld [tilespmem:s20+$0x410];
	[tilespmem:s10+$0x150] =	vst v5  }
0x1c7: {  	_ = 	snop  }
0x1c8: {  	[tilespmem:s3+$0x190] =	vst v1  }
0x1c9: {  	v1 =	vld [tilespmem:s0+$0x420];
	[tilespmem:s3+$0x90] =	vst v2  }
0x1ca: {  	[tilespmem:s3+$0x110] =	vst v3;
	v52 =	vld [tilespmem:s18+$0x420]  }
0x1cb: {  	[tilespmem:s3+$0x10] =	vst v4;
	v53 =	vld [tilespmem:s19+$0x420]  }
0x1cc: {  	v51 =	vld [tilespmem:s20+$0x420];
	_ =	sdelay $0x1  }
0x1cd: {  	[tilespmem:s3+$0x1A0] =	vst v1  }
0x1ce: {  	v1 =	vld [tilespmem:s0+$0x430];
	[tilespmem:s3+$0xA0] =	vst v52  }
0x1cf: {  	v3 =	vld [tilespmem:s18+$0x430];
	[tilespmem:s3+$0x120] =	vst v53  }
0x1d0: {  	[tilespmem:s3+$0x20] =	vst v51;
	v4 =	vld [tilespmem:s19+$0x430]  }
0x1d1: {  	v2 =	vld [tilespmem:s20+$0x430];
	_ =	sdelay $0x1  }
0x1d2: {  	[tilespmem:s3+$0x1B0] =	vst v1  }
0x1d3: {  	v1 =	vld [tilespmem:s0+$0x440];
	[tilespmem:s3+$0xB0] =	vst v3  }
0x1d4: {  	v3 =	vld [tilespmem:s18+$0x440];
	[tilespmem:s3+$0x130] =	vst v4  }
0x1d5: {  	[tilespmem:s3+$0x30] =	vst v2;
	v4 =	vld [tilespmem:s19+$0x440]  }
0x1d6: {  	v2 =	vld [tilespmem:s20+$0x440]  }
0x1d7: {  	v54 =	vld [tilespmem:s17+$0x460];
	[tilespmem:s10+$0x1F0] =	vst v0  }
0x1d8: {  	v5 =	vld [tilespmem:s15+$0x460];
	[tilespmem:s3+$0x1C0] =	vst v1  }
0x1d9: {  	v1 =	vld [tilespmem:s0+$0x450];
	[tilespmem:s3+$0xC0] =	vst v3  }
0x1da: {  	v3 =	vld [tilespmem:s18+$0x450];
	[tilespmem:s3+$0x140] =	vst v4  }
0x1db: {  	[tilespmem:s3+$0x40] =	vst v2;
	v55 =	vld [tilespmem:s19+$0x450]  }
0x1dc: {  	[tilespmem:s10+$0x60] =	vst v54;
	v2 =	vld [tilespmem:s20+$0x450]  }
0x1dd: {  	v56 =	vld [tilespmem:s6+$0x460];
	[tilespmem:s10+$0xE0] =	vst v5  }
0x1de: {  	v57 =	vld [tilespmem:s17+$0x470];
	[tilespmem:s3+$0x1D0] =	vst v1  }
0x1df: {  	v1 =	vld [tilespmem:s0+$0x460];
	[tilespmem:s3+$0xD0] =	vst v3  }
0x1e0: {  	[tilespmem:s3+$0x150] =	vst v55;
	v58 =	vld [tilespmem:s18+$0x460]  }
0x1e1: {  	[tilespmem:s3+$0x50] =	vst v2;
	v59 =	vld [tilespmem:s19+$0x460]  }
0x1e2: {  	[tilespmem:s10+$0x160] =	vst v56;
	v2 =	vld [tilespmem:s20+$0x460]  }
0x1e3: {  	v60 =	vld [tilespmem:s15+$0x470];
	[tilespmem:s10+$0x70] =	vst v57  }
0x1e4: {  	v61 =	vld [tilespmem:s6+$0x470];
	[tilespmem:s3+$0x1E0] =	vst v1  }
0x1e5: {  	v1 =	vld [tilespmem:s0+$0x470];
	[tilespmem:s3+$0xE0] =	vst v58  }
0x1e6: {  	[tilespmem:s3+$0x160] =	vst v59;
	v63 =	vld [tilespmem:s18+$0x470]  }
0x1e7: {  	[tilespmem:s3+$0x60] =	vst v2;
	v3 =	vld [tilespmem:s19+$0x470]  }
0x1e8: {  	[tilespmem:s10+$0xF0] =	vst v60;
	v62 =	vld [tilespmem:s20+$0x470]  }
0x1e9: {  	[tilespmem:s10+$0x170] =	vst v61  }
.Ltmp11:
0x1ea: {  	[tilespmem:s3+$0x1F0] =	vst v1;
	(pc) =	sbr.rel @p1 .LBB2_18-.Ltmp11, $4  }
0x1eb: {  	s29 =	sadd.s32 s9, s13;
	[tilespmem:s3+$0xF0] =	vst v63  }
0x1ec: {  	s0 =	sshll.u32 s29, $0x4;
	[tilespmem:s3+$0x170] =	vst v3  }
0x1ed: {  	s2 =	simm.s32 $0x8C00;
	s0 =	sadd.s32 s4, s0;
	[tilespmem:s3+$0x70] =	vst v62  }
0x1ee: {  	[hbm4b:s0+s5] =	stream.linear.scatter [tilespmem:s2], [sflag:$0x3], $0x4000, $0x38;
	[tilespmem:$0x10C00] =	vst v63  }
.Ltmp12:
0x1ef: {  	(pc) =	sbr.rel .LBB2_19-.Ltmp12, $4  }
0x1f0: {  	_ = 	snop  }
0x1f1: {  	_ =	swait.ge [sflag:s30], $0x80  }
0x1f2: {  	[sflag:s30] =	ssyncset.done $0x0  }
0x1f3: {  	[sflag:s30] =	ssyncadd.s32 $0xFFFFFF80  }
.LBB2_18:
0x1f4: {  	s0 =	sadd.s32 $0x6, s8  }
0x1f5: {  	s2 =	sadd.s32 s7, s0;
	s0 =	sshll.u32 s0, $0x4  }
0x1f6: {  	s2 =	sshll.u32 s2, $0x4;
	s0 =	sand.u32 $0x60, s0  }
0x1f7: {  	s2 =	sand.u32 $0xFFFFF80, s2;
	s0 =	sadd.s32 s1, s0  }
.Ltmp13:
0x1f8: {  	s29 =	simm.s32 $0x100;
	s0 =	sadd.s32 s2, s0;
	(pc) =	sbr.rel @p0 .LBB2_20-.Ltmp13, $4  }
0x1f9: {  	[tilespmem:s29], [sflag:$0x7] =	stream.linear.gather [hbm4b:s0+s5], $0x80, $0x38;
	[tilespmem:$0x10C00] =	vst v63  }
0x1fa: {  	_ =	swait.ge [sflag:s30], $0x80  }
0x1fb: {  	[sflag:s30] =	ssyncset.done $0x0  }
0x1fc: {  	[sflag:s30] =	ssyncadd.s32 $0xFFFFFF80  }
.LBB2_19:
0x1fd: {  	_ =	swait.ge [sflag:s31], $0x4000  }
0x1fe: {  	[sflag:s31] =	ssyncset.done $0x0  }
0x1ff: {  	[sflag:s31] =	ssyncadd.s32 $0xFFFFC000  }
.LBB2_20:
0x200: {  	s0 =	simm.s32 $0x183  }
0x201: {  	v0 =	vld [tilespmem:s0+$0x0];
	_ =	sdelay $0x1  }
0x202: {  	v1 =	vld [tilespmem:s0+$0xFFFFFFFE]  }
0x203: {  	v2 =	vld [tilespmem:s0+$0xFFFFFFFF]  }
0x204: {  	v3 =	vld [tilespmem:s0+$0xFFFFFFFD]  }
0x205: {  	(v2sf) =	vpush v0, $0x0;
	_ =	sdelay $0x1  }
0x206: {  	(v2sf) =	vpush v1, $0x0  }
0x207: {  	(v2sf) =	vpush v2, $0x0  }
0x208: {  	(v2sf) =	vpush v3, $0x0;
	_ =	sdelay $0xa  }
0x209: {  	s0 =	spop (v2sf)  }
0x20a: {  	p0 =	sgt.s32 s0, $0x0  }
0x20b: {  	s2 =	spop (v2sf);
	s0 =	simm.s32 @!p0 $0x0  }
0x20c: {  	s3 =	spop (v2sf);
	s0 =	smin.u32 s0, $0x9  }
0x20d: {  	p1 =	sgt.s32 s2, $0x0;
	s22 =	sshll.u32 s0, $0x7;
	s0 =	spop (v2sf)  }
0x20e: {  	s2 =	simm.s32 @!p1 $0x0;
	p1 =	sgt.s32 s0, $0x0  }
0x20f: {  	v0 =	vld [tilespmem:s22+$0x400];
	s0 =	simm.s32 @!p1 $0x0  }
0x210: {  	s0 =	smin.u32 s0, $0x9  }
0x211: {  	s2 =	smin.u32 s2, $0x9;
	s17 =	sshll.u32 s0, $0x7  }
0x212: {  	p0 =	sgt.s32 s3, $0x0;
	s15 =	sshll.u32 s2, $0x7;
	v3 =	vld [tilespmem:s17+$0x400]  }
0x213: {  	s10 =	simm.s32 $0xCC00;
	s20 =	simm.s32 $0x187;
	s3 =	simm.s32 @!p0 $0x0;
	v1 =	vld [tilespmem:s15+$0x400]  }
0x214: {  	v4 =	vld [tilespmem:s20+$0x0];
	s19 =	smin.u32 s3, $0x9;
	[tilespmem:s10+$0x180] =	vst v0  }
0x215: {  	s6 =	sshll.u32 s19, $0x7;
	v0 =	vld [tilespmem:s22+$0x410]  }
0x216: {  	v2 =	vld [tilespmem:s6+$0x400]  }
0x217: {  	v6 =	vld [tilespmem:s20+$0xFFFFFFFF];
	[tilespmem:s10+$0x0] =	vst v3  }
0x218: {  	[tilespmem:s10+$0x80] =	vst v1;
	v3 =	vld [tilespmem:s17+$0x410]  }
0x219: {  	v1 =	vld [tilespmem:s15+$0x410]  }
0x21a: {  	[tilespmem:s10+$0x190] =	vst v0;
	v0 =	vld [tilespmem:s20+$0xFFFFFFFE]  }
0x21b: {  	[tilespmem:s10+$0x100] =	vst v2;
	v5 =	vld [tilespmem:s22+$0x420]  }
0x21c: {  	(v2sf) =	vpush v4, $0x0;
	v2 =	vld [tilespmem:s6+$0x410]  }
0x21d: {  	[tilespmem:s10+$0x10] =	vst v3;
	v3 =	vld [tilespmem:s20+$0xFFFFFFFD];
	_ =	sdelay $0x1  }
0x21e: {  	[tilespmem:s10+$0x90] =	vst v1;
	v1 =	vld [tilespmem:s17+$0x420]  }
0x21f: {  	(v2sf) =	vpush v0, $0x0;
	v0 =	vld [tilespmem:s15+$0x420];
	[tilespmem:s10+$0x1A0] =	vst v5  }
0x220: {  	(v2sf) =	vpush v6, $0x0;
	v4 =	vld [tilespmem:s22+$0x430]  }
0x221: {  	[tilespmem:s10+$0x110] =	vst v2;
	(v2sf) =	vpush v3, $0x0  }
0x222: {  	v2 =	vld [tilespmem:s6+$0x420]  }
0x223: {  	[tilespmem:s10+$0x20] =	vst v1  }
0x224: {  	[tilespmem:s10+$0xA0] =	vst v0;
	v1 =	vld [tilespmem:s17+$0x430]  }
0x225: {  	v0 =	vld [tilespmem:s15+$0x430];
	[tilespmem:s10+$0x1B0] =	vst v4  }
0x226: {  	v3 =	vld [tilespmem:s22+$0x440]  }
0x227: {  	[tilespmem:s10+$0x120] =	vst v2  }
0x228: {  	v2 =	vld [tilespmem:s6+$0x430]  }
0x229: {  	[tilespmem:s10+$0x30] =	vst v1  }
0x22a: {  	s0 =	spop (v2sf);
	[tilespmem:s10+$0xB0] =	vst v0;
	v1 =	vld [tilespmem:s17+$0x440]  }
0x22b: {  	p0 =	sgt.s32 s0, $0x0;
	v0 =	vld [tilespmem:s15+$0x440];
	[tilespmem:s10+$0x1C0] =	vst v3  }
0x22c: {  	s0 =	simm.s32 @!p0 $0x0;
	v3 =	vld [tilespmem:s22+$0x450]  }
0x22d: {  	s0 =	smin.u32 s0, $0x9;
	[tilespmem:s10+$0x130] =	vst v2  }
0x22e: {  	s0 =	sshll.u32 s0, $0x7;
	v2 =	vld [tilespmem:s6+$0x440];
	s2 =	spop (v2sf)  }
0x22f: {  	v4 =	vld [tilespmem:s0+$0x400];
	p1 =	sgt.s32 s2, $0x0;
	s3 =	spop (v2sf);
	[tilespmem:s10+$0x40] =	vst v1  }
0x230: {  	s2 =	simm.s32 @!p1 $0x0;
	[tilespmem:s10+$0xC0] =	vst v0;
	p0 =	sgt.s32 s3, $0x0;
	v1 =	vld [tilespmem:s17+$0x450];
	s19 =	spop (v2sf)  }
0x231: {  	v0 =	vld [tilespmem:s15+$0x450];
	s2 =	smin.u32 s2, $0x9;
	s3 =	simm.s32 @!p0 $0x0;
	[tilespmem:s10+$0x1D0] =	vst v3;
	p1 =	sgt.s32 s19, $0x0  }
0x232: {  	s18 =	sshll.u32 s2, $0x7;
	s25 =	smin.u32 s3, $0x9;
	v3 =	vld [tilespmem:s22+$0x460];
	s19 =	simm.s32 @!p1 $0x0  }
0x233: {  	[tilespmem:s10+$0x140] =	vst v2;
	s3 =	simm.s32 $0xCE00;
	v2 =	vld [tilespmem:s18+$0x400];
	s29 =	smin.u32 s19, $0x9;
	s19 =	sshll.u32 s25, $0x7  }
0x234: {  	[tilespmem:s3+$0x180] =	vst v4;
	s20 =	sshll.u32 s29, $0x7;
	v5 =	vld [tilespmem:s19+$0x400]  }
0x235: {  	[tilespmem:s10+$0x50] =	vst v1;
	v6 =	vld [tilespmem:s20+$0x400]  }
0x236: {  	v7 =	vld [tilespmem:s6+$0x450];
	[tilespmem:s10+$0xD0] =	vst v0  }
0x237: {  	v1 =	vld [tilespmem:s0+$0x410];
	[tilespmem:s10+$0x1E0] =	vst v3  }
0x238: {  	[tilespmem:s3+$0x80] =	vst v2;
	v0 =	vld [tilespmem:s22+$0x470]  }
0x239: {  	v2 =	vld [tilespmem:s18+$0x410];
	[tilespmem:s3+$0x100] =	vst v5  }
0x23a: {  	[tilespmem:s3+$0x0] =	vst v6;
	v3 =	vld [tilespmem:s19+$0x410]  }
0x23b: {  	[tilespmem:s10+$0x150] =	vst v7;
	s25 =	simm.s32 $0x18B;
	s22 =	simm.s32 $0x4;
	v4 =	vld [tilespmem:s20+$0x410]  }
.LBB2_21:
0x23c: {  	v5 =	vld [tilespmem:s25+$0x0];
	[tilespmem:s3+$0x190] =	vst v1  }
0x23d: {  	s22 =	sadd.s32 $0x4, s22;
	v1 =	vld [tilespmem:s25+$0xFFFFFFFE];
	[tilespmem:s10+$0x1F0] =	vst v0  }
0x23e: {  	p0 =	slt.u32 s22, $0x7C;
	[tilespmem:s3+$0x90] =	vst v2;
	v0 =	vld [tilespmem:s0+$0x420]  }
0x23f: {  	v2 =	vld [tilespmem:s25+$0xFFFFFFFF];
	[tilespmem:s3+$0x110] =	vst v3  }
0x240: {  	v3 =	vld [tilespmem:s25+$0xFFFFFFFD];
	[tilespmem:s3+$0x10] =	vst v4  }
0x241: {  	(v2sf) =	vpush v5, $0x0;
	v4 =	vld [tilespmem:s20+$0x420]  }
0x242: {  	(v2sf) =	vpush v1, $0x0;
	v1 =	vld [tilespmem:s18+$0x420]  }
0x243: {  	v5 =	vld [tilespmem:s19+$0x420];
	[tilespmem:s3+$0x1A0] =	vst v0  }
0x244: {  	(v2sf) =	vpush v2, $0x0;
	v0 =	vld [tilespmem:s0+$0x430]  }
0x245: {  	(v2sf) =	vpush v3, $0x0;
	v2 =	vld [tilespmem:s17+$0x460]  }
0x246: {  	[tilespmem:s3+$0x20] =	vst v4;
	v3 =	vld [tilespmem:s15+$0x460]  }
0x247: {  	v4 =	vld [tilespmem:s20+$0x430];
	[tilespmem:s3+$0xA0] =	vst v1  }
0x248: {  	v1 =	vld [tilespmem:s18+$0x430];
	[tilespmem:s3+$0x120] =	vst v5  }
0x249: {  	v5 =	vld [tilespmem:s19+$0x430];
	[tilespmem:s3+$0x1B0] =	vst v0  }
0x24a: {  	v0 =	vld [tilespmem:s0+$0x440];
	[tilespmem:s10+$0x60] =	vst v2  }
0x24b: {  	[tilespmem:s10+$0xE0] =	vst v3;
	v2 =	vld [tilespmem:s6+$0x460]  }
0x24c: {  	[tilespmem:s3+$0x30] =	vst v4;
	v3 =	vld [tilespmem:s17+$0x470];
	s17 =	smov.u32 s20  }
0x24d: {  	v4 =	vld [tilespmem:s17+$0x440];
	[tilespmem:s3+$0xB0] =	vst v1  }
0x24e: {  	v1 =	vld [tilespmem:s18+$0x440];
	[tilespmem:s3+$0x130] =	vst v5  }
0x24f: {  	v5 =	vld [tilespmem:s19+$0x440];
	[tilespmem:s3+$0x1C0] =	vst v0  }
0x250: {  	s2 =	spop (v2sf);
	v0 =	vld [tilespmem:s0+$0x450];
	[tilespmem:s10+$0x160] =	vst v2  }
0x251: {  	p1 =	sgt.s32 s2, $0x0;
	s20 =	spop (v2sf);
	[tilespmem:s10+$0x70] =	vst v3;
	v2 =	vld [tilespmem:s15+$0x470];
	s15 =	smov.u32 s18  }
0x252: {  	p2 =	sgt.s32 s20, $0x0;
	s2 =	simm.s32 @!p1 $0x0;
	[tilespmem:s3+$0x40] =	vst v4;
	v3 =	vld [tilespmem:s6+$0x470];
	s6 =	smov.u32 s19  }
0x253: {  	s20 =	simm.s32 @!p2 $0x0;
	s2 =	smin.u32 s2, $0x9;
	s19 =	spop (v2sf);
	v4 =	vld [tilespmem:s17+$0x450];
	[tilespmem:s3+$0xC0] =	vst v1  }
0x254: {  	p1 =	sgt.s32 s19, $0x0;
	s2 =	sshll.u32 s2, $0x7;
	s29 =	spop (v2sf);
	v1 =	vld [tilespmem:s15+$0x450];
	[tilespmem:s3+$0x140] =	vst v5  }
0x255: {  	s18 =	smin.u32 s20, $0x9;
	p2 =	sgt.s32 s29, $0x0;
	s19 =	simm.s32 @!p1 $0x0;
	v5 =	vld [tilespmem:s2+$0x400];
	[tilespmem:s3+$0x1D0] =	vst v0  }
0x256: {  	s18 =	sshll.u32 s18, $0x7;
	s29 =	simm.s32 @!p2 $0x0;
	s19 =	smin.u32 s19, $0x9;
	v0 =	vld [tilespmem:s0+$0x460];
	[tilespmem:s10+$0xF0] =	vst v2  }
0x257: {  	s20 =	smin.u32 s29, $0x9;
	v2 =	vld [tilespmem:s18+$0x400];
	s19 =	sshll.u32 s19, $0x7;
	[tilespmem:s10+$0x170] =	vst v3;
	s10 =	smov.u32 s3  }
0x258: {  	s20 =	sshll.u32 s20, $0x7;
	v3 =	vld [tilespmem:s19+$0x400];
	[tilespmem:s3+$0x50] =	vst v4  }
0x259: {  	s3 =	sadd.s32 $0x200, s3;
	v4 =	vld [tilespmem:s20+$0x400];
	[tilespmem:s10+$0xD0] =	vst v1  }
0x25a: {  	[tilespmem:s3+$0x180] =	vst v5;
	v5 =	vld [tilespmem:s6+$0x450]  }
.Ltmp14:
0x25b: {  	v1 =	vld [tilespmem:s2+$0x410];
	[tilespmem:s10+$0x1E0] =	vst v0;
	(pc) =	sbr.rel @p0 .LBB2_21-.Ltmp14, $4  }
0x25c: {  	[tilespmem:s3+$0x80] =	vst v2;
	v0 =	vld [tilespmem:s0+$0x470];
	s0 =	smov.u32 s2  }
0x25d: {  	v2 =	vld [tilespmem:s18+$0x410];
	[tilespmem:s3+$0x100] =	vst v3  }
0x25e: {  	[tilespmem:s3+$0x0] =	vst v4;
	v3 =	vld [tilespmem:s19+$0x410]  }
0x25f: {  	s25 =	sadd.s32 $0x4, s25;
	v4 =	vld [tilespmem:s20+$0x410];
	[tilespmem:s10+$0x150] =	vst v5  }
0x260: {  	_ = 	snop  }
0x261: {  	[tilespmem:s3+$0x190] =	vst v1  }
0x262: {  	v1 =	vld [tilespmem:s0+$0x420];
	[tilespmem:s3+$0x90] =	vst v2  }
0x263: {  	[tilespmem:s3+$0x110] =	vst v3;
	v52 =	vld [tilespmem:s18+$0x420]  }
0x264: {  	[tilespmem:s3+$0x10] =	vst v4;
	v53 =	vld [tilespmem:s19+$0x420]  }
0x265: {  	v51 =	vld [tilespmem:s20+$0x420];
	_ =	sdelay $0x1  }
0x266: {  	[tilespmem:s3+$0x1A0] =	vst v1  }
0x267: {  	v1 =	vld [tilespmem:s0+$0x430];
	[tilespmem:s3+$0xA0] =	vst v52  }
0x268: {  	v3 =	vld [tilespmem:s18+$0x430];
	[tilespmem:s3+$0x120] =	vst v53  }
0x269: {  	[tilespmem:s3+$0x20] =	vst v51;
	v4 =	vld [tilespmem:s19+$0x430]  }
0x26a: {  	v2 =	vld [tilespmem:s20+$0x430];
	_ =	sdelay $0x1  }
0x26b: {  	[tilespmem:s3+$0x1B0] =	vst v1  }
0x26c: {  	v1 =	vld [tilespmem:s0+$0x440];
	[tilespmem:s3+$0xB0] =	vst v3  }
0x26d: {  	v3 =	vld [tilespmem:s18+$0x440];
	[tilespmem:s3+$0x130] =	vst v4  }
0x26e: {  	[tilespmem:s3+$0x30] =	vst v2;
	v4 =	vld [tilespmem:s19+$0x440]  }
0x26f: {  	v2 =	vld [tilespmem:s20+$0x440]  }
0x270: {  	v54 =	vld [tilespmem:s17+$0x460];
	[tilespmem:s10+$0x1F0] =	vst v0  }
0x271: {  	v5 =	vld [tilespmem:s15+$0x460];
	[tilespmem:s3+$0x1C0] =	vst v1  }
0x272: {  	v1 =	vld [tilespmem:s0+$0x450];
	[tilespmem:s3+$0xC0] =	vst v3  }
0x273: {  	v3 =	vld [tilespmem:s18+$0x450];
	[tilespmem:s3+$0x140] =	vst v4  }
0x274: {  	[tilespmem:s3+$0x40] =	vst v2;
	v55 =	vld [tilespmem:s19+$0x450]  }
0x275: {  	[tilespmem:s10+$0x60] =	vst v54;
	v2 =	vld [tilespmem:s20+$0x450]  }
0x276: {  	v56 =	vld [tilespmem:s6+$0x460];
	[tilespmem:s10+$0xE0] =	vst v5  }
0x277: {  	v57 =	vld [tilespmem:s17+$0x470];
	[tilespmem:s3+$0x1D0] =	vst v1  }
0x278: {  	v1 =	vld [tilespmem:s0+$0x460];
	[tilespmem:s3+$0xD0] =	vst v3  }
0x279: {  	[tilespmem:s3+$0x150] =	vst v55;
	v58 =	vld [tilespmem:s18+$0x460]  }
0x27a: {  	[tilespmem:s3+$0x50] =	vst v2;
	v59 =	vld [tilespmem:s19+$0x460]  }
0x27b: {  	[tilespmem:s10+$0x160] =	vst v56;
	v2 =	vld [tilespmem:s20+$0x460]  }
0x27c: {  	v60 =	vld [tilespmem:s15+$0x470];
	[tilespmem:s10+$0x70] =	vst v57  }
0x27d: {  	v61 =	vld [tilespmem:s6+$0x470];
	[tilespmem:s3+$0x1E0] =	vst v1  }
0x27e: {  	v1 =	vld [tilespmem:s0+$0x470];
	[tilespmem:s3+$0xE0] =	vst v58  }
0x27f: {  	[tilespmem:s3+$0x160] =	vst v59;
	v63 =	vld [tilespmem:s18+$0x470]  }
0x280: {  	[tilespmem:s3+$0x60] =	vst v2;
	v3 =	vld [tilespmem:s19+$0x470]  }
0x281: {  	[tilespmem:s10+$0xF0] =	vst v60;
	v62 =	vld [tilespmem:s20+$0x470]  }
0x282: {  	p0 =	seq.s32 s16, $0xC7;
	[tilespmem:s10+$0x170] =	vst v61  }
.Ltmp15:
0x283: {  	[tilespmem:s3+$0x1F0] =	vst v1;
	(pc) =	sbr.rel @p0 .LBB2_24-.Ltmp15, $4  }
0x284: {  	s29 =	sadd.s32 s9, s14;
	[tilespmem:s3+$0xF0] =	vst v63  }
0x285: {  	s0 =	sshll.u32 s29, $0x4;
	[tilespmem:s3+$0x170] =	vst v3  }
0x286: {  	s2 =	simm.s32 $0xCC00;
	s0 =	sadd.s32 s4, s0;
	[tilespmem:s3+$0x70] =	vst v62  }
0x287: {  	[hbm4b:s0+s5] =	stream.linear.scatter [tilespmem:s2], [sflag:$0x4], $0x4000, $0x38;
	[tilespmem:$0x10C00] =	vst v63  }
0x288: {  	s0 =	sadd.s32 $0x7, s8  }
.Ltmp16:
0x289: {  	s2 =	sadd.s32 s7, s0;
	s0 =	sshll.u32 s0, $0x4;
	(pc) =	sbr.rel .LBB2_2-.Ltmp16, $4  }
0x28a: {  	s2 =	sshll.u32 s2, $0x4;
	s0 =	sand.u32 $0x70, s0  }
0x28b: {  	s2 =	sand.u32 $0xFFFFF80, s2;
	s0 =	sadd.s32 s1, s0  }
0x28c: {  	s29 =	simm.s32 $0x180;
	s16 =	sadd.s32 $0x1, s16;
	s0 =	sadd.s32 s2, s0  }
0x28d: {  	[tilespmem:s29], [sflag:$0x8] =	stream.linear.gather [hbm4b:s0+s5], $0x80, $0x38;
	[tilespmem:$0x10C00] =	vst v63  }
.LBB2_25:
0x28e: {  	_ =	sfence.sel $0x180000  }
0x28f: {  	[bflag:$0x0] =	sbarrier.arrive $0xFFFF  }
0x290: {  	_ =	strace $0x90000047  }
0x291: {  	s0 =	stileid.u32;
	[bflag:$0x2] =	sbarrier.arrive $0xFFFF  }
0x292: {  	p0 =	sne.s32 s0, $0x0;
	s0 =	rddreg [dreg:$0x3]  }
0x293: {  	s0 =	sadd.s32 @!p0 $0x100000, s0  }
0x294: {  	[sflag:s0] =	ssyncadd.tile.s32 @!p0 $0x1;
	_ =	shalt  }
.Lfunc_end2:
_tile_overlayer_lowered:
.L_overlay_start_2:
0x295: {  	(tag) =	ssettag $0x2  }
0x296: {  	s0 =	rddreg [dreg:$0x0];
	s2 =	stileid.u32  }
0x297: {  	s1 =	rddreg [dreg:$0x1];
	p0 =	sne.s32 s2, $0x0  }
0x298: {  	s3 =	rddreg [dreg:$0x2];
	[bflag:$0x3] =	sbarrier.arrive $0xFFFF;
	s2 =	simm.s32 @!p0 $0x1C09  }
0x299: {  	[timem:s3], [sflag:s2] =	dma.local @!p0 [hbm:s0], s1  }
0x29a: {  	s0 =	simm.s32 @!p0 $0x9  }
0x29b: {  	_ =	swait.ge @!p0 [sflag:s0], s1  }
0x29c: {  	s1 =	ssub.s32 @!p0 $0x0, s1;
	[sflag:s0] =	ssyncset.done @!p0 $0x0  }
0x29d: {  	[sflag:s0] =	ssyncadd.s32 @!p0 s1  }
0x29e: {  	[bflag:$0x3] =	sbarrier.arrive $0xFFFF  }
0x29f: {  	_ =	shalt  }

</sc_bundles>
